<compile_context>
chip_gen: v7x
topology: tpu7x:2x2x1
jax: 0.10.2.dev20260603
libtpu: 0.0.44.dev20260713+nightly
codegen_flags: <defaults>
</compile_context>

<pallas_src>
import functools

import jax
import jax.numpy as jnp
from jax import lax
from jax.experimental import pallas as pl
from jax.experimental.pallas import tpu as pltpu
from jax.experimental.pallas import tpu_sc as plsc

NUM_EMB = 1000000
DIM = 32
SEQ = 50
BATCH = 16384
SCALE = 50.0

NC = 2
NS = 16
NW = NC * NS

NB_PER_W = BATCH // NW
BCHUNK = 16
ROWS = BCHUNK * SEQ
NCHUNKS = NB_PER_W // BCHUNK
NPAIRS = NCHUNKS // 2

_mesh = plsc.VectorSubcoreMesh(core_axis_name="c", subcore_axis_name="s")


@functools.partial(
    pl.kernel,
    out_type=jax.ShapeDtypeStruct((SEQ, DIM // 8, BATCH // 128, 8, 128),
                                  jnp.float32),
    mesh=_mesh,
    compiler_params=pltpu.CompilerParams(
        use_tc_tiling_on_sc=False, needs_layout_passes=False
    ),
    scratch_types=[
        pltpu.VMEM((2, ROWS), jnp.int32),
        pltpu.VMEM((2, ROWS, DIM), jnp.float32),
        pltpu.VMEM((2, SEQ, DIM // 8, 8, BCHUNK), jnp.float32),
        pltpu.SemaphoreType.DMA,
        pltpu.SemaphoreType.DMA,
        pltpu.SemaphoreType.DMA,
        pltpu.SemaphoreType.DMA,
    ],
)
def _emb_lookup(idx_hbm, table_hbm, out_hbm, idx_v, rows_v, tout_v,
                g0, g1, o0, o1):
    wid = lax.axis_index("s") * NC + lax.axis_index("c")
    b_base = wid * NB_PER_W
    gsems = (g0, g1)
    osems = (o0, o1)
    lanes50 = lax.iota(jnp.int32, 16) * SEQ

    def fire(buf, c):
        k0 = pl.multiple_of((b_base + c * BCHUNK) * SEQ, ROWS)
        pltpu.sync_copy(idx_hbm.at[pl.ds(k0, ROWS)], idx_v.at[buf])
        pltpu.async_copy(table_hbm.at[idx_v.at[buf]], rows_v.at[buf],
                         gsems[buf])

    def out_slices(c):
        b0 = b_base + c * BCHUNK
        bblk = b0 // 128
        bb0 = pl.multiple_of(b0 % 128, BCHUNK)
        return bblk, bb0

    def process(buf, c):
        pltpu.make_async_copy(table_hbm.at[idx_v.at[buf]], rows_v.at[buf],
                              gsems[buf]).wait()

        @pl.when(c >= 2)
        def _():
            bblk_p, bb0_p = out_slices(c - 2)
            pltpu.make_async_copy(
                tout_v.at[buf],
                out_hbm.at[:, :, bblk_p, :, pl.ds(bb0_p, BCHUNK)],
                osems[buf],
            ).wait()

        rv = rows_v.at[buf]

        @plsc.parallel_loop(0, SEQ * DIM, unroll=8)
        def _(t):
            s = t >> 5
            col = t & 31
            v = plsc.load_gather(
                rv, [lanes50 + s, jnp.full((16,), col, jnp.int32)]
            )
            tout_v[buf, s, (t >> 3) & 3, t & 7] = v * SCALE

        bblk, bb0 = out_slices(c)
        pltpu.async_copy(
            tout_v.at[buf],
            out_hbm.at[:, :, bblk, :, pl.ds(bb0, BCHUNK)],
            osems[buf],
        )

    fire(0, 0)

    def pair_body(i, carry):
        c0 = i * 2
        fire(1, c0 + 1)
        process(0, c0)

        @pl.when(c0 + 2 < NCHUNKS)
        def _():
            fire(0, c0 + 2)

        process(1, c0 + 1)
        return carry

    lax.fori_loop(0, NPAIRS, pair_body, 0)

    for c in (NCHUNKS - 2, NCHUNKS - 1):
        buf = c % 2
        bblk, bb0 = out_slices(c)
        pltpu.make_async_copy(
            tout_v.at[buf],
            out_hbm.at[:, :, bblk, :, pl.ds(bb0, BCHUNK)],
            osems[buf],
        ).wait()


def kernel(input, embedding_weight):
    idx = input.astype(jnp.int32).reshape(BATCH * SEQ)
    o5 = _emb_lookup(idx, embedding_weight)
    return o5.transpose(2, 4, 0, 1, 3).reshape(BATCH, SEQ, DIM)

# --- scband reference (transcript-rebuilt; emitter-appended) ---
"""Pipeline reference for scband-scaled-embedding-init-31181462569372 (READ-ONLY COPY).

The authoritative reference and input builder live on the scoring server;
editing this copy changes nothing except your own understanding.
"""

import jax, jax.numpy as jnp
import numpy as np

NUM_EMBEDDINGS = 1000000
EMBEDDING_DIM = 32
INIT_STD = 0.02

def setup_inputs(seed: int = 0) -> dict:
    key = jax.random.key(seed)
    k_idx, k_w = jax.random.split(key)
    inp = jax.random.randint(k_idx, (16384, 50), 0, NUM_EMBEDDINGS, dtype=jnp.int64 if jax.config.jax_enable_x64 else jnp.int32)
    # trunc_normal_init_(empty(N, D), std=init_std)
    embedding_weight = (jax.random.truncated_normal(k_w, -2.0, 2.0, (NUM_EMBEDDINGS, EMBEDDING_DIM), dtype=jnp.float32) * INIT_STD)
    return {"input": inp, "embedding_weight": embedding_weight}

def reference(input, embedding_weight):
    scale = 1.0 / INIT_STD
    return scale * jnp.take(embedding_weight, input, axis=0)

if __name__ == "__main__":
    import jax
    _d = setup_inputs()
    print(jax.jit(kernel)(*tuple(_d.values())))

</pallas_src>

<mosaic_0001>
#map = affine_map<(d0, d1) -> (0)>
#map1 = affine_map<(d0, d1) -> (0, 0)>
#map2 = affine_map<(d0, d1) -> (0, 0, 0, 0, 0)>
module attributes {stable_mosaic.version = 14 : i64} {
  func.func @_emb_lookup(%arg0: i32, %arg1: i32, %arg2: memref<819200xi32, #tpu.memory_space<hbm>>, %arg3: memref<1000000x32xf32, #tpu.memory_space<hbm>>, %arg4: memref<50x4x128x8x128xf32, #tpu.memory_space<hbm>>, %arg5: memref<2x800xi32, #tpu.memory_space<vmem>>, %arg6: memref<2x800x32xf32, #tpu.memory_space<vmem>>, %arg7: memref<2x50x4x8x16xf32, #tpu.memory_space<vmem>>, %arg8: memref<!tpu.dma_semaphore, #tpu.memory_space<semaphore_mem>>, %arg9: memref<!tpu.dma_semaphore, #tpu.memory_space<semaphore_mem>>, %arg10: memref<!tpu.dma_semaphore, #tpu.memory_space<semaphore_mem>>, %arg11: memref<!tpu.dma_semaphore, #tpu.memory_space<semaphore_mem>>) attributes {dimension_semantics = [#tpu.dimension_semantics<core_parallel>, #tpu.dimension_semantics<subcore_parallel>], iteration_bounds = array<i64: 2, 16>, scalar_prefetch = 0 : i64, scratch_operands = 7 : i64, tpu.core_type = #tpu.core_type<sc_vector_subcore>, window_params = [{transform_indices = #map}, {transform_indices = #map1}, {transform_indices = #map2}]} {
    %mul3A = arith.constant 2 : i32
    %mul3A_0 = arith.muli %arg1, %mul3A : i32
    %add3A = arith.addi %mul3A_0, %arg0 : i32
    %mul3A_1 = arith.constant 512 : i32
    %mul3A_2 = arith.muli %add3A, %mul3A_1 : i32
    %iota3A = tpu.iota {dimensions = array<i32: 0>} : vector<16xi32>
    %mul3A_3 = arith.constant 50 : i32
    %mul3A_4 = vector.broadcast %mul3A_3 : i32 to vector<16xi32>
    %mul3A_5 = arith.muli %iota3A, %mul3A_4 : vector<16xi32>
    %add3A_6 = arith.constant 0 : i32
    %add3A_7 = arith.addi %mul3A_2, %add3A_6 : i32
    %mul3A_8 = arith.constant 50 : i32
    %mul3A_9 = arith.muli %add3A_7, %mul3A_8 : i32
    %multiple_of3A = tpu.assume_multiple %mul3A_9, 800 : i32
    %run_scoped3A = arith.constant 0 : i32
    "tpu.region"() ({
      %run_scoped3A_147 = tpu.sem_alloc : memref<!tpu.dma_semaphore, #tpu.memory_space<semaphore_mem>>
      %dma_start3A_148 = arith.constant 0 : i32
      %dma_start3A_149 = tpu.memref_slice %arg5[%run_scoped3A, %dma_start3A_148] : memref<2x800xi32, #tpu.memory_space<vmem>> -> memref<1x800xi32, #tpu.memory_space<vmem>>
      %dma_start3A_150 = tpu.memref_squeeze %dma_start3A_149 : memref<1x800xi32, #tpu.memory_space<vmem>> -> memref<800xi32, #tpu.memory_space<vmem>>
      %dma_start3A_151 = tpu.memref_slice %arg2[%multiple_of3A] : memref<819200xi32, #tpu.memory_space<hbm>> -> memref<800xi32, #tpu.memory_space<hbm>>
      %dma_start3A_152 = arith.constant 0 : i32
      %dma_start3A_153 = tpu.memref_slice %arg5[%run_scoped3A, %dma_start3A_152] : memref<2x800xi32, #tpu.memory_space<vmem>> -> memref<1x800xi32, #tpu.memory_space<vmem>>
      %dma_start3A_154 = tpu.memref_squeeze %dma_start3A_153 : memref<1x800xi32, #tpu.memory_space<vmem>> -> memref<800xi32, #tpu.memory_space<vmem>>
      %dma_start3A_155 = tpu.memref_slice %arg2[%multiple_of3A] : memref<819200xi32, #tpu.memory_space<hbm>> -> memref<800xi32, #tpu.memory_space<hbm>>
      tpu.enqueue_dma source(%dma_start3A_155 : memref<800xi32, #tpu.memory_space<hbm>>) target(%dma_start3A_154 : memref<800xi32, #tpu.memory_space<vmem>>) target_semaphore(%run_scoped3A_147 : memref<!tpu.dma_semaphore, #tpu.memory_space<semaphore_mem>>)
      %dma_wait3A_156 = arith.constant 0 : i32
      %dma_wait3A_157 = tpu.memref_slice %arg5[%run_scoped3A, %dma_wait3A_156] : memref<2x800xi32, #tpu.memory_space<vmem>> -> memref<1x800xi32, #tpu.memory_space<vmem>>
      %dma_wait3A_158 = tpu.memref_squeeze %dma_wait3A_157 : memref<1x800xi32, #tpu.memory_space<vmem>> -> memref<800xi32, #tpu.memory_space<vmem>>
      %dma_wait3A_159 = tpu.memref_slice %arg2[%multiple_of3A] : memref<819200xi32, #tpu.memory_space<hbm>> -> memref<800xi32, #tpu.memory_space<hbm>>
      %dma_wait3A_160 = arith.constant 0 : i32
      %dma_wait3A_161 = tpu.memref_slice %arg5[%run_scoped3A, %dma_wait3A_160] : memref<2x800xi32, #tpu.memory_space<vmem>> -> memref<1x800xi32, #tpu.memory_space<vmem>>
      %dma_wait3A_162 = tpu.memref_squeeze %dma_wait3A_161 : memref<1x800xi32, #tpu.memory_space<vmem>> -> memref<800xi32, #tpu.memory_space<vmem>>
      %dma_wait3A_163 = tpu.memref_slice %arg2[%multiple_of3A] : memref<819200xi32, #tpu.memory_space<hbm>> -> memref<800xi32, #tpu.memory_space<hbm>>
      tpu.wait_dma2 semaphore(%run_scoped3A_147 : memref<!tpu.dma_semaphore, #tpu.memory_space<semaphore_mem>>) src(%dma_wait3A_163 : memref<800xi32, #tpu.memory_space<hbm>>) dst(%dma_wait3A_162 : memref<800xi32, #tpu.memory_space<vmem>>)
      tpu.yield
    }) : () -> ()
    %dma_start3A = arith.constant 0 : i32
    %dma_start3A_10 = arith.constant 0 : i32
    %dma_start3A_11 = arith.constant 0 : i32
    %dma_start3A_12 = arith.constant 0 : i32
    %dma_start3A_13 = tpu.memref_slice %arg6[%dma_start3A_10, %dma_start3A_11, %dma_start3A_12] : memref<2x800x32xf32, #tpu.memory_space<vmem>> -> memref<1x800x32xf32, #tpu.memory_space<vmem>>
    %dma_start3A_14 = tpu.memref_squeeze %dma_start3A_13 : memref<1x800x32xf32, #tpu.memory_space<vmem>> -> memref<800x32xf32, #tpu.memory_space<vmem>>
    %dma_start3A_15 = arith.constant 0 : i32
    %dma_start3A_16 = tpu.memref_slice %arg5[%dma_start3A, %dma_start3A_15] : memref<2x800xi32, #tpu.memory_space<vmem>> -> memref<1x800xi32, #tpu.memory_space<vmem>>
    %dma_start3A_17 = tpu.memref_squeeze %dma_start3A_16 : memref<1x800xi32, #tpu.memory_space<vmem>> -> memref<800xi32, #tpu.memory_space<vmem>>
    %dma_start3A_18 = arith.constant 0 : i32
    %dma_start3A_19 = arith.constant 0 : i32
    %dma_start3A_20 = tpu.memref_slice %arg3[%dma_start3A_18, %dma_start3A_19] : memref<1000000x32xf32, #tpu.memory_space<hbm>> -> memref<1000000x32xf32, #tpu.memory_space<hbm>>
    tpu.enqueue_indirect_dma source(%dma_start3A_20 : memref<1000000x32xf32, #tpu.memory_space<hbm>>) target(%dma_start3A_14 : memref<800x32xf32, #tpu.memory_space<vmem>>) offsets(%dma_start3A_17 : memref<800xi32, #tpu.memory_space<vmem>>) semaphore(%arg8 : memref<!tpu.dma_semaphore, #tpu.memory_space<semaphore_mem>>)
    %scan3A = arith.constant 0 : i32
    %scan3A_21 = arith.constant 0 : i32
    %scan3A_22 = arith.constant 16 : i32
    %scan3A_23 = arith.addi %scan3A_21, %scan3A_22 : i32
    %scan3A_24 = arith.constant 1 : i32
    scf.for %scan3A_147 = %scan3A_21 to %scan3A_23 step %scan3A_24  : i32 {
      %mul3A_148 = arith.constant 2 : i32
      %mul3A_149 = arith.muli %scan3A_147, %mul3A_148 : i32
      %add3A_150 = arith.constant 1 : i32
      %add3A_151 = arith.addi %mul3A_149, %add3A_150 : i32
      %mul3A_152 = arith.constant 16 : i32
      %mul3A_153 = arith.muli %add3A_151, %mul3A_152 : i32
      %add3A_154 = arith.addi %mul3A_2, %mul3A_153 : i32
      %mul3A_155 = arith.constant 50 : i32
      %mul3A_156 = arith.muli %add3A_154, %mul3A_155 : i32
      %multiple_of3A_157 = tpu.assume_multiple %mul3A_156, 800 : i32
      %run_scoped3A_158 = arith.constant 1 : i32
      "tpu.region"() ({
        %run_scoped3A_352 = tpu.sem_alloc : memref<!tpu.dma_semaphore, #tpu.memory_space<semaphore_mem>>
        %dma_start3A_353 = arith.constant 0 : i32
        %dma_start3A_354 = tpu.memref_slice %arg5[%run_scoped3A_158, %dma_start3A_353] : memref<2x800xi32, #tpu.memory_space<vmem>> -> memref<1x800xi32, #tpu.memory_space<vmem>>
        %dma_start3A_355 = tpu.memref_squeeze %dma_start3A_354 : memref<1x800xi32, #tpu.memory_space<vmem>> -> memref<800xi32, #tpu.memory_space<vmem>>
        %dma_start3A_356 = tpu.memref_slice %arg2[%multiple_of3A_157] : memref<819200xi32, #tpu.memory_space<hbm>> -> memref<800xi32, #tpu.memory_space<hbm>>
        %dma_start3A_357 = arith.constant 0 : i32
        %dma_start3A_358 = tpu.memref_slice %arg5[%run_scoped3A_158, %dma_start3A_357] : memref<2x800xi32, #tpu.memory_space<vmem>> -> memref<1x800xi32, #tpu.memory_space<vmem>>
        %dma_start3A_359 = tpu.memref_squeeze %dma_start3A_358 : memref<1x800xi32, #tpu.memory_space<vmem>> -> memref<800xi32, #tpu.memory_space<vmem>>
        %dma_start3A_360 = tpu.memref_slice %arg2[%multiple_of3A_157] : memref<819200xi32, #tpu.memory_space<hbm>> -> memref<800xi32, #tpu.memory_space<hbm>>
        tpu.enqueue_dma source(%dma_start3A_360 : memref<800xi32, #tpu.memory_space<hbm>>) target(%dma_start3A_359 : memref<800xi32, #tpu.memory_space<vmem>>) target_semaphore(%run_scoped3A_352 : memref<!tpu.dma_semaphore, #tpu.memory_space<semaphore_mem>>)
        %dma_wait3A_361 = arith.constant 0 : i32
        %dma_wait3A_362 = tpu.memref_slice %arg5[%run_scoped3A_158, %dma_wait3A_361] : memref<2x800xi32, #tpu.memory_space<vmem>> -> memref<1x800xi32, #tpu.memory_space<vmem>>
        %dma_wait3A_363 = tpu.memref_squeeze %dma_wait3A_362 : memref<1x800xi32, #tpu.memory_space<vmem>> -> memref<800xi32, #tpu.memory_space<vmem>>
        %dma_wait3A_364 = tpu.memref_slice %arg2[%multiple_of3A_157] : memref<819200xi32, #tpu.memory_space<hbm>> -> memref<800xi32, #tpu.memory_space<hbm>>
        %dma_wait3A_365 = arith.constant 0 : i32
        %dma_wait3A_366 = tpu.memref_slice %arg5[%run_scoped3A_158, %dma_wait3A_365] : memref<2x800xi32, #tpu.memory_space<vmem>> -> memref<1x800xi32, #tpu.memory_space<vmem>>
        %dma_wait3A_367 = tpu.memref_squeeze %dma_wait3A_366 : memref<1x800xi32, #tpu.memory_space<vmem>> -> memref<800xi32, #tpu.memory_space<vmem>>
        %dma_wait3A_368 = tpu.memref_slice %arg2[%multiple_of3A_157] : memref<819200xi32, #tpu.memory_space<hbm>> -> memref<800xi32, #tpu.memory_space<hbm>>
        tpu.wait_dma2 semaphore(%run_scoped3A_352 : memref<!tpu.dma_semaphore, #tpu.memory_space<semaphore_mem>>) src(%dma_wait3A_368 : memref<800xi32, #tpu.memory_space<hbm>>) dst(%dma_wait3A_367 : memref<800xi32, #tpu.memory_space<vmem>>)
        tpu.yield
      }) : () -> ()
      %dma_start3A_159 = arith.constant 1 : i32
      %dma_start3A_160 = arith.constant 1 : i32
      %dma_start3A_161 = arith.constant 0 : i32
      %dma_start3A_162 = arith.constant 0 : i32
      %dma_start3A_163 = tpu.memref_slice %arg6[%dma_start3A_160, %dma_start3A_161, %dma_start3A_162] : memref<2x800x32xf32, #tpu.memory_space<vmem>> -> memref<1x800x32xf32, #tpu.memory_space<vmem>>
      %dma_start3A_164 = tpu.memref_squeeze %dma_start3A_163 : memref<1x800x32xf32, #tpu.memory_space<vmem>> -> memref<800x32xf32, #tpu.memory_space<vmem>>
      %dma_start3A_165 = arith.constant 0 : i32
      %dma_start3A_166 = tpu.memref_slice %arg5[%dma_start3A_159, %dma_start3A_165] : memref<2x800xi32, #tpu.memory_space<vmem>> -> memref<1x800xi32, #tpu.memory_space<vmem>>
      %dma_start3A_167 = tpu.memref_squeeze %dma_start3A_166 : memref<1x800xi32, #tpu.memory_space<vmem>> -> memref<800xi32, #tpu.memory_space<vmem>>
      %dma_start3A_168 = arith.constant 0 : i32
      %dma_start3A_169 = arith.constant 0 : i32
      %dma_start3A_170 = tpu.memref_slice %arg3[%dma_start3A_168, %dma_start3A_169] : memref<1000000x32xf32, #tpu.memory_space<hbm>> -> memref<1000000x32xf32, #tpu.memory_space<hbm>>
      tpu.enqueue_indirect_dma source(%dma_start3A_170 : memref<1000000x32xf32, #tpu.memory_space<hbm>>) target(%dma_start3A_164 : memref<800x32xf32, #tpu.memory_space<vmem>>) offsets(%dma_start3A_167 : memref<800xi32, #tpu.memory_space<vmem>>) semaphore(%arg9 : memref<!tpu.dma_semaphore, #tpu.memory_space<semaphore_mem>>)
      %dma_wait3A_171 = arith.constant 0 : i32
      %dma_wait3A_172 = arith.constant 0 : i32
      %dma_wait3A_173 = arith.constant 0 : i32
      %dma_wait3A_174 = arith.constant 0 : i32
      %dma_wait3A_175 = tpu.memref_slice %arg6[%dma_wait3A_172, %dma_wait3A_173, %dma_wait3A_174] : memref<2x800x32xf32, #tpu.memory_space<vmem>> -> memref<1x800x32xf32, #tpu.memory_space<vmem>>
      %dma_wait3A_176 = tpu.memref_squeeze %dma_wait3A_175 : memref<1x800x32xf32, #tpu.memory_space<vmem>> -> memref<800x32xf32, #tpu.memory_space<vmem>>
      %dma_wait3A_177 = arith.constant 0 : i32
      %dma_wait3A_178 = tpu.memref_slice %arg5[%dma_wait3A_171, %dma_wait3A_177] : memref<2x800xi32, #tpu.memory_space<vmem>> -> memref<1x800xi32, #tpu.memory_space<vmem>>
      %dma_wait3A_179 = tpu.memref_squeeze %dma_wait3A_178 : memref<1x800xi32, #tpu.memory_space<vmem>> -> memref<800xi32, #tpu.memory_space<vmem>>
      %dma_wait3A_180 = arith.constant 0 : i32
      %dma_wait3A_181 = arith.constant 0 : i32
      %dma_wait3A_182 = tpu.memref_slice %arg3[%dma_wait3A_180, %dma_wait3A_181] : memref<1000000x32xf32, #tpu.memory_space<hbm>> -> memref<1000000x32xf32, #tpu.memory_space<hbm>>
      tpu.wait_indirect_dma semaphore(%arg8 : memref<!tpu.dma_semaphore, #tpu.memory_space<semaphore_mem>>) src(%dma_wait3A_182 : memref<1000000x32xf32, #tpu.memory_space<hbm>>) dst(%dma_wait3A_176 : memref<800x32xf32, #tpu.memory_space<vmem>>)
      %ge3A = arith.constant 2 : i32
      %ge3A_183 = arith.cmpi sge, %mul3A_149, %ge3A : i32
      %convert_element_type3A = arith.extui %ge3A_183 : i1 to i32
      %cond3A = arith.constant 0 : i32
      %cond3A_184 = arith.cmpi ne, %convert_element_type3A, %cond3A : i32
      scf.if %cond3A_184 {
        %sub3A_352 = arith.constant 2 : i32
        %sub3A_353 = arith.subi %mul3A_149, %sub3A_352 : i32
        %mul3A_354 = arith.constant 16 : i32
        %mul3A_355 = arith.muli %sub3A_353, %mul3A_354 : i32
        %add3A_356 = arith.addi %mul3A_2, %mul3A_355 : i32
        %jit3A_357 = arith.constant 128 : i32
        %div3A_358 = arith.divsi %add3A_356, %jit3A_357 : i32
        %sign3A_359 = arith.constant 0 : i32
        %sign3A_360 = arith.cmpi sgt, %add3A_356, %sign3A_359 : i32
        %sign3A_361 = arith.extui %sign3A_360 : i1 to i32
        %sign3A_362 = arith.constant 0 : i32
        %sign3A_363 = arith.cmpi slt, %add3A_356, %sign3A_362 : i32
        %sign3A_364 = arith.extui %sign3A_363 : i1 to i32
        %sign3A_365 = arith.subi %sign3A_361, %sign3A_364 : i32
        %sign3A_366 = arith.constant 0 : i32
        %sign3A_367 = arith.cmpi sgt, %jit3A_357, %sign3A_366 : i32
        %sign3A_368 = arith.extui %sign3A_367 : i1 to i32
        %sign3A_369 = arith.constant 0 : i32
        %sign3A_370 = arith.cmpi slt, %jit3A_357, %sign3A_369 : i32
        %sign3A_371 = arith.extui %sign3A_370 : i1 to i32
        %sign3A_372 = arith.subi %sign3A_368, %sign3A_371 : i32
        %ne3A_373 = arith.cmpi ne, %sign3A_365, %sign3A_372 : i32
        %rem3A_374 = arith.remsi %add3A_356, %jit3A_357 : i32
        %ne3A_375 = arith.constant 0 : i32
        %ne3A_376 = arith.cmpi ne, %rem3A_374, %ne3A_375 : i32
        %and3A_377 = arith.andi %ne3A_373, %ne3A_376 : i1
        %sub3A_378 = arith.constant 1 : i32
        %sub3A_379 = arith.subi %div3A_358, %sub3A_378 : i32
        %select_n3A_380 = arith.select %and3A_377, %sub3A_379, %div3A_358 : i32
        %jit3A_381 = arith.constant 128 : i32
        %eq3A_382 = arith.constant 0 : i32
        %eq3A_383 = arith.cmpi eq, %jit3A_381, %eq3A_382 : i32
        %jit3A_384 = arith.constant 1 : i32
        %select_n3A_385 = arith.select %eq3A_383, %jit3A_384, %jit3A_381 : i32
        %rem3A_386 = arith.remsi %add3A_356, %select_n3A_385 : i32
        %ne3A_387 = arith.constant 0 : i32
        %ne3A_388 = arith.cmpi ne, %rem3A_386, %ne3A_387 : i32
        %lt3A_389 = arith.constant 0 : i32
        %lt3A_390 = arith.cmpi slt, %rem3A_386, %lt3A_389 : i32
        %lt3A_391 = arith.constant 0 : i32
        %lt3A_392 = arith.cmpi slt, %select_n3A_385, %lt3A_391 : i32
        %ne3A_393 = arith.xori %lt3A_390, %lt3A_392 : i1
        %and3A_394 = arith.andi %ne3A_393, %ne3A_388 : i1
        %add3A_395 = arith.addi %rem3A_386, %select_n3A_385 : i32
        %select_n3A_396 = arith.select %and3A_394, %add3A_395, %rem3A_386 : i32
        %multiple_of3A_397 = tpu.assume_multiple %select_n3A_396, 16 : i32
        %dma_wait3A_398 = arith.constant 0 : i32
        %dma_wait3A_399 = arith.constant 0 : i32
        %dma_wait3A_400 = arith.constant 0 : i32
        %dma_wait3A_401 = arith.constant 0 : i32
        %dma_wait3A_402 = arith.constant 0 : i32
        %dma_wait3A_403 = tpu.memref_slice %arg7[%dma_wait3A_398, %dma_wait3A_399, %dma_wait3A_400, %dma_wait3A_401, %dma_wait3A_402] : memref<2x50x4x8x16xf32, #tpu.memory_space<vmem>> -> memref<1x50x4x8x16xf32, #tpu.memory_space<vmem>>
        %dma_wait3A_404 = tpu.memref_squeeze %dma_wait3A_403 : memref<1x50x4x8x16xf32, #tpu.memory_space<vmem>> -> memref<50x4x8x16xf32, #tpu.memory_space<vmem>>
        %dma_wait3A_405 = arith.constant 0 : i32
        %dma_wait3A_406 = arith.constant 0 : i32
        %dma_wait3A_407 = arith.constant 0 : i32
        %dma_wait3A_408 = tpu.memref_slice %arg4[%dma_wait3A_405, %dma_wait3A_406, %select_n3A_380, %dma_wait3A_407, %multiple_of3A_397] : memref<50x4x128x8x128xf32, #tpu.memory_space<hbm>> -> memref<50x4x1x8x16xf32, #tpu.memory_space<hbm>>
        %dma_wait3A_409 = tpu.memref_squeeze %dma_wait3A_408 : memref<50x4x1x8x16xf32, #tpu.memory_space<hbm>> -> memref<50x4x8x16xf32, #tpu.memory_space<hbm>>
        %dma_wait3A_410 = arith.constant 0 : i32
        %dma_wait3A_411 = arith.constant 0 : i32
        %dma_wait3A_412 = arith.constant 0 : i32
        %dma_wait3A_413 = tpu.memref_slice %arg4[%dma_wait3A_410, %dma_wait3A_411, %select_n3A_380, %dma_wait3A_412, %multiple_of3A_397] : memref<50x4x128x8x128xf32, #tpu.memory_space<hbm>> -> memref<50x4x1x8x16xf32, #tpu.memory_space<hbm>>
        %dma_wait3A_414 = tpu.memref_squeeze %dma_wait3A_413 : memref<50x4x1x8x16xf32, #tpu.memory_space<hbm>> -> memref<50x4x8x16xf32, #tpu.memory_space<hbm>>
        %dma_wait3A_415 = arith.constant 0 : i32
        %dma_wait3A_416 = arith.constant 0 : i32
        %dma_wait3A_417 = arith.constant 0 : i32
        %dma_wait3A_418 = arith.constant 0 : i32
        %dma_wait3A_419 = tpu.memref_slice %arg7[%dma_wait3A_398, %dma_wait3A_415, %dma_wait3A_416, %dma_wait3A_417, %dma_wait3A_418] : memref<2x50x4x8x16xf32, #tpu.memory_space<vmem>> -> memref<1x50x4x8x16xf32, #tpu.memory_space<vmem>>
        %dma_wait3A_420 = tpu.memref_squeeze %dma_wait3A_419 : memref<1x50x4x8x16xf32, #tpu.memory_space<vmem>> -> memref<50x4x8x16xf32, #tpu.memory_space<vmem>>
        tpu.wait_dma2 semaphore(%arg10 : memref<!tpu.dma_semaphore, #tpu.memory_space<semaphore_mem>>) src(%dma_wait3A_420 : memref<50x4x8x16xf32, #tpu.memory_space<vmem>>) dst(%dma_wait3A_414 : memref<50x4x8x16xf32, #tpu.memory_space<hbm>>)
      } else {
      }
      %parallel_loop3A = arith.constant 0 : i32
      %parallel_loop3A_185 = arith.constant 1600 : i32
      %parallel_loop3A_186 = arith.constant 1 : i32
      %parallel_loop3A_187 = arith.constant 0 : i32
      scf.for %parallel_loop3A_352 = %parallel_loop3A to %parallel_loop3A_185 step %parallel_loop3A_186  : i32 {
        %parallel_loop3A_353 = arith.constant 5 : i32
        %parallel_loop3A_354 = arith.shrsi %parallel_loop3A_352, %parallel_loop3A_353 : i32
        %parallel_loop3A_355 = arith.constant 31 : i32
        %parallel_loop3A_356 = arith.andi %parallel_loop3A_352, %parallel_loop3A_355 : i32
        %parallel_loop3A_357 = vector.broadcast %parallel_loop3A_354 : i32 to vector<16xi32>
        %parallel_loop3A_358 = arith.addi %mul3A_5, %parallel_loop3A_357 : vector<16xi32>
        %parallel_loop3A_359 = vector.broadcast %parallel_loop3A_356 : i32 to vector<16xi32>
        %parallel_loop3A_360 = arith.constant 0 : i32
        %parallel_loop3A_361 = arith.constant 0 : i32
        %parallel_loop3A_362 = tpu.memref_slice %arg6[%parallel_loop3A_187, %parallel_loop3A_360, %parallel_loop3A_361] : memref<2x800x32xf32, #tpu.memory_space<vmem>> -> memref<1x800x32xf32, #tpu.memory_space<vmem>>
        %parallel_loop3A_363 = tpu.memref_squeeze %parallel_loop3A_362 : memref<1x800x32xf32, #tpu.memory_space<vmem>> -> memref<800x32xf32, #tpu.memory_space<vmem>>
        %parallel_loop3A_364 = tpu.vector_load_idx %parallel_loop3A_363[%parallel_loop3A_358, %parallel_loop3A_359] : memref<800x32xf32, #tpu.memory_space<vmem>>[vector<16xi32>, vector<16xi32>], vector<16xf32>,
        %parallel_loop3A_365 = arith.constant 5.000000e+01 : f32
        %parallel_loop3A_366 = vector.broadcast %parallel_loop3A_365 : f32 to vector<16xf32>
        %parallel_loop3A_367 = arith.mulf %parallel_loop3A_364, %parallel_loop3A_366 : vector<16xf32>
        %parallel_loop3A_368 = arith.constant 3 : i32
        %parallel_loop3A_369 = arith.shrsi %parallel_loop3A_352, %parallel_loop3A_368 : i32
        %parallel_loop3A_370 = arith.constant 3 : i32
        %parallel_loop3A_371 = arith.andi %parallel_loop3A_369, %parallel_loop3A_370 : i32
        %parallel_loop3A_372 = arith.constant 7 : i32
        %parallel_loop3A_373 = arith.andi %parallel_loop3A_352, %parallel_loop3A_372 : i32
        %parallel_loop3A_374 = arith.constant 0 : i32
        %parallel_loop3A_375 = arith.index_cast %parallel_loop3A_374 : i32 to index
        %parallel_loop3A_376 = arith.index_cast %parallel_loop3A_354 : i32 to index
        %parallel_loop3A_377 = arith.index_cast %parallel_loop3A_371 : i32 to index
        %parallel_loop3A_378 = arith.index_cast %parallel_loop3A_373 : i32 to index
        %parallel_loop3A_379 = arith.constant 0 : index
        %parallel_loop3A_380 = tpu.vector_load %arg7[%parallel_loop3A_375, %parallel_loop3A_376, %parallel_loop3A_377, %parallel_loop3A_378, %parallel_loop3A_379] {strides = array<i32>} : memref<2x50x4x8x16xf32, #tpu.memory_space<vmem>>, vector<16xf32>,
        tpu.vector_store %arg7[%parallel_loop3A_375, %parallel_loop3A_376, %parallel_loop3A_377, %parallel_loop3A_378, %parallel_loop3A_379], %parallel_loop3A_367 {strides = array<i32>} : memref<2x50x4x8x16xf32, #tpu.memory_space<vmem>>, vector<16xf32>,
      } {sc.loop_unroll_factor = 8 : i64, sc.parallel_access}
      %mul3A_188 = arith.constant 16 : i32
      %mul3A_189 = arith.muli %mul3A_149, %mul3A_188 : i32
      %add3A_190 = arith.addi %mul3A_2, %mul3A_189 : i32
      %jit3A_191 = arith.constant 128 : i32
      %div3A_192 = arith.divsi %add3A_190, %jit3A_191 : i32
      %sign3A_193 = arith.constant 0 : i32
      %sign3A_194 = arith.cmpi sgt, %add3A_190, %sign3A_193 : i32
      %sign3A_195 = arith.extui %sign3A_194 : i1 to i32
      %sign3A_196 = arith.constant 0 : i32
      %sign3A_197 = arith.cmpi slt, %add3A_190, %sign3A_196 : i32
      %sign3A_198 = arith.extui %sign3A_197 : i1 to i32
      %sign3A_199 = arith.subi %sign3A_195, %sign3A_198 : i32
      %sign3A_200 = arith.constant 0 : i32
      %sign3A_201 = arith.cmpi sgt, %jit3A_191, %sign3A_200 : i32
      %sign3A_202 = arith.extui %sign3A_201 : i1 to i32
      %sign3A_203 = arith.constant 0 : i32
      %sign3A_204 = arith.cmpi slt, %jit3A_191, %sign3A_203 : i32
      %sign3A_205 = arith.extui %sign3A_204 : i1 to i32
      %sign3A_206 = arith.subi %sign3A_202, %sign3A_205 : i32
      %ne3A_207 = arith.cmpi ne, %sign3A_199, %sign3A_206 : i32
      %rem3A_208 = arith.remsi %add3A_190, %jit3A_191 : i32
      %ne3A_209 = arith.constant 0 : i32
      %ne3A_210 = arith.cmpi ne, %rem3A_208, %ne3A_209 : i32
      %and3A_211 = arith.andi %ne3A_207, %ne3A_210 : i1
      %sub3A_212 = arith.constant 1 : i32
      %sub3A_213 = arith.subi %div3A_192, %sub3A_212 : i32
      %select_n3A_214 = arith.select %and3A_211, %sub3A_213, %div3A_192 : i32
      %jit3A_215 = arith.constant 128 : i32
      %eq3A_216 = arith.constant 0 : i32
      %eq3A_217 = arith.cmpi eq, %jit3A_215, %eq3A_216 : i32
      %jit3A_218 = arith.constant 1 : i32
      %select_n3A_219 = arith.select %eq3A_217, %jit3A_218, %jit3A_215 : i32
      %rem3A_220 = arith.remsi %add3A_190, %select_n3A_219 : i32
      %ne3A_221 = arith.constant 0 : i32
      %ne3A_222 = arith.cmpi ne, %rem3A_220, %ne3A_221 : i32
      %lt3A_223 = arith.constant 0 : i32
      %lt3A_224 = arith.cmpi slt, %rem3A_220, %lt3A_223 : i32
      %lt3A_225 = arith.constant 0 : i32
      %lt3A_226 = arith.cmpi slt, %select_n3A_219, %lt3A_225 : i32
      %ne3A_227 = arith.xori %lt3A_224, %lt3A_226 : i1
      %and3A_228 = arith.andi %ne3A_227, %ne3A_222 : i1
      %add3A_229 = arith.addi %rem3A_220, %select_n3A_219 : i32
      %select_n3A_230 = arith.select %and3A_228, %add3A_229, %rem3A_220 : i32
      %multiple_of3A_231 = tpu.assume_multiple %select_n3A_230, 16 : i32
      %dma_start3A_232 = arith.constant 0 : i32
      %dma_start3A_233 = arith.constant 0 : i32
      %dma_start3A_234 = arith.constant 0 : i32
      %dma_start3A_235 = arith.constant 0 : i32
      %dma_start3A_236 = arith.constant 0 : i32
      %dma_start3A_237 = tpu.memref_slice %arg7[%dma_start3A_232, %dma_start3A_233, %dma_start3A_234, %dma_start3A_235, %dma_start3A_236] : memref<2x50x4x8x16xf32, #tpu.memory_space<vmem>> -> memref<1x50x4x8x16xf32, #tpu.memory_space<vmem>>
      %dma_start3A_238 = tpu.memref_squeeze %dma_start3A_237 : memref<1x50x4x8x16xf32, #tpu.memory_space<vmem>> -> memref<50x4x8x16xf32, #tpu.memory_space<vmem>>
      %dma_start3A_239 = arith.constant 0 : i32
      %dma_start3A_240 = arith.constant 0 : i32
      %dma_start3A_241 = arith.constant 0 : i32
      %dma_start3A_242 = tpu.memref_slice %arg4[%dma_start3A_239, %dma_start3A_240, %select_n3A_214, %dma_start3A_241, %multiple_of3A_231] : memref<50x4x128x8x128xf32, #tpu.memory_space<hbm>> -> memref<50x4x1x8x16xf32, #tpu.memory_space<hbm>>
      %dma_start3A_243 = tpu.memref_squeeze %dma_start3A_242 : memref<50x4x1x8x16xf32, #tpu.memory_space<hbm>> -> memref<50x4x8x16xf32, #tpu.memory_space<hbm>>
      %dma_start3A_244 = arith.constant 0 : i32
      %dma_start3A_245 = arith.constant 0 : i32
      %dma_start3A_246 = arith.constant 0 : i32
      %dma_start3A_247 = tpu.memref_slice %arg4[%dma_start3A_244, %dma_start3A_245, %select_n3A_214, %dma_start3A_246, %multiple_of3A_231] : memref<50x4x128x8x128xf32, #tpu.memory_space<hbm>> -> memref<50x4x1x8x16xf32, #tpu.memory_space<hbm>>
      %dma_start3A_248 = tpu.memref_squeeze %dma_start3A_247 : memref<50x4x1x8x16xf32, #tpu.memory_space<hbm>> -> memref<50x4x8x16xf32, #tpu.memory_space<hbm>>
      %dma_start3A_249 = arith.constant 0 : i32
      %dma_start3A_250 = arith.constant 0 : i32
      %dma_start3A_251 = arith.constant 0 : i32
      %dma_start3A_252 = arith.constant 0 : i32
      %dma_start3A_253 = tpu.memref_slice %arg7[%dma_start3A_232, %dma_start3A_249, %dma_start3A_250, %dma_start3A_251, %dma_start3A_252] : memref<2x50x4x8x16xf32, #tpu.memory_space<vmem>> -> memref<1x50x4x8x16xf32, #tpu.memory_space<vmem>>
      %dma_start3A_254 = tpu.memref_squeeze %dma_start3A_253 : memref<1x50x4x8x16xf32, #tpu.memory_space<vmem>> -> memref<50x4x8x16xf32, #tpu.memory_space<vmem>>
      tpu.enqueue_dma source(%dma_start3A_254 : memref<50x4x8x16xf32, #tpu.memory_space<vmem>>) target(%dma_start3A_248 : memref<50x4x8x16xf32, #tpu.memory_space<hbm>>) target_semaphore(%arg10 : memref<!tpu.dma_semaphore, #tpu.memory_space<semaphore_mem>>)
      %add3A_255 = arith.constant 2 : i32
      %add3A_256 = arith.addi %mul3A_149, %add3A_255 : i32
      %lt3A_257 = arith.constant 32 : i32
      %lt3A_258 = arith.cmpi slt, %add3A_256, %lt3A_257 : i32
      %convert_element_type3A_259 = arith.extui %lt3A_258 : i1 to i32
      %cond3A_260 = arith.constant 0 : i32
      %cond3A_261 = arith.cmpi ne, %convert_element_type3A_259, %cond3A_260 : i32
      scf.if %cond3A_261 {
        %add3A_352 = arith.constant 2 : i32
        %add3A_353 = arith.addi %mul3A_149, %add3A_352 : i32
        %mul3A_354 = arith.constant 16 : i32
        %mul3A_355 = arith.muli %add3A_353, %mul3A_354 : i32
        %add3A_356 = arith.addi %mul3A_2, %mul3A_355 : i32
        %mul3A_357 = arith.constant 50 : i32
        %mul3A_358 = arith.muli %add3A_356, %mul3A_357 : i32
        %multiple_of3A_359 = tpu.assume_multiple %mul3A_358, 800 : i32
        %run_scoped3A_360 = arith.constant 0 : i32
        "tpu.region"() ({
          %run_scoped3A_373 = tpu.sem_alloc : memref<!tpu.dma_semaphore, #tpu.memory_space<semaphore_mem>>
          %dma_start3A_374 = arith.constant 0 : i32
          %dma_start3A_375 = tpu.memref_slice %arg5[%run_scoped3A_360, %dma_start3A_374] : memref<2x800xi32, #tpu.memory_space<vmem>> -> memref<1x800xi32, #tpu.memory_space<vmem>>
          %dma_start3A_376 = tpu.memref_squeeze %dma_start3A_375 : memref<1x800xi32, #tpu.memory_space<vmem>> -> memref<800xi32, #tpu.memory_space<vmem>>
          %dma_start3A_377 = tpu.memref_slice %arg2[%multiple_of3A_359] : memref<819200xi32, #tpu.memory_space<hbm>> -> memref<800xi32, #tpu.memory_space<hbm>>
          %dma_start3A_378 = arith.constant 0 : i32
          %dma_start3A_379 = tpu.memref_slice %arg5[%run_scoped3A_360, %dma_start3A_378] : memref<2x800xi32, #tpu.memory_space<vmem>> -> memref<1x800xi32, #tpu.memory_space<vmem>>
          %dma_start3A_380 = tpu.memref_squeeze %dma_start3A_379 : memref<1x800xi32, #tpu.memory_space<vmem>> -> memref<800xi32, #tpu.memory_space<vmem>>
          %dma_start3A_381 = tpu.memref_slice %arg2[%multiple_of3A_359] : memref<819200xi32, #tpu.memory_space<hbm>> -> memref<800xi32, #tpu.memory_space<hbm>>
          tpu.enqueue_dma source(%dma_start3A_381 : memref<800xi32, #tpu.memory_space<hbm>>) target(%dma_start3A_380 : memref<800xi32, #tpu.memory_space<vmem>>) target_semaphore(%run_scoped3A_373 : memref<!tpu.dma_semaphore, #tpu.memory_space<semaphore_mem>>)
          %dma_wait3A_382 = arith.constant 0 : i32
          %dma_wait3A_383 = tpu.memref_slice %arg5[%run_scoped3A_360, %dma_wait3A_382] : memref<2x800xi32, #tpu.memory_space<vmem>> -> memref<1x800xi32, #tpu.memory_space<vmem>>
          %dma_wait3A_384 = tpu.memref_squeeze %dma_wait3A_383 : memref<1x800xi32, #tpu.memory_space<vmem>> -> memref<800xi32, #tpu.memory_space<vmem>>
          %dma_wait3A_385 = tpu.memref_slice %arg2[%multiple_of3A_359] : memref<819200xi32, #tpu.memory_space<hbm>> -> memref<800xi32, #tpu.memory_space<hbm>>
          %dma_wait3A_386 = arith.constant 0 : i32
          %dma_wait3A_387 = tpu.memref_slice %arg5[%run_scoped3A_360, %dma_wait3A_386] : memref<2x800xi32, #tpu.memory_space<vmem>> -> memref<1x800xi32, #tpu.memory_space<vmem>>
          %dma_wait3A_388 = tpu.memref_squeeze %dma_wait3A_387 : memref<1x800xi32, #tpu.memory_space<vmem>> -> memref<800xi32, #tpu.memory_space<vmem>>
          %dma_wait3A_389 = tpu.memref_slice %arg2[%multiple_of3A_359] : memref<819200xi32, #tpu.memory_space<hbm>> -> memref<800xi32, #tpu.memory_space<hbm>>
          tpu.wait_dma2 semaphore(%run_scoped3A_373 : memref<!tpu.dma_semaphore, #tpu.memory_space<semaphore_mem>>) src(%dma_wait3A_389 : memref<800xi32, #tpu.memory_space<hbm>>) dst(%dma_wait3A_388 : memref<800xi32, #tpu.memory_space<vmem>>)
          tpu.yield
        }) : () -> ()
        %dma_start3A_361 = arith.constant 0 : i32
        %dma_start3A_362 = arith.constant 0 : i32
        %dma_start3A_363 = arith.constant 0 : i32
        %dma_start3A_364 = arith.constant 0 : i32
        %dma_start3A_365 = tpu.memref_slice %arg6[%dma_start3A_362, %dma_start3A_363, %dma_start3A_364] : memref<2x800x32xf32, #tpu.memory_space<vmem>> -> memref<1x800x32xf32, #tpu.memory_space<vmem>>
        %dma_start3A_366 = tpu.memref_squeeze %dma_start3A_365 : memref<1x800x32xf32, #tpu.memory_space<vmem>> -> memref<800x32xf32, #tpu.memory_space<vmem>>
        %dma_start3A_367 = arith.constant 0 : i32
        %dma_start3A_368 = tpu.memref_slice %arg5[%dma_start3A_361, %dma_start3A_367] : memref<2x800xi32, #tpu.memory_space<vmem>> -> memref<1x800xi32, #tpu.memory_space<vmem>>
        %dma_start3A_369 = tpu.memref_squeeze %dma_start3A_368 : memref<1x800xi32, #tpu.memory_space<vmem>> -> memref<800xi32, #tpu.memory_space<vmem>>
        %dma_start3A_370 = arith.constant 0 : i32
        %dma_start3A_371 = arith.constant 0 : i32
        %dma_start3A_372 = tpu.memref_slice %arg3[%dma_start3A_370, %dma_start3A_371] : memref<1000000x32xf32, #tpu.memory_space<hbm>> -> memref<1000000x32xf32, #tpu.memory_space<hbm>>
        tpu.enqueue_indirect_dma source(%dma_start3A_372 : memref<1000000x32xf32, #tpu.memory_space<hbm>>) target(%dma_start3A_366 : memref<800x32xf32, #tpu.memory_space<vmem>>) offsets(%dma_start3A_369 : memref<800xi32, #tpu.memory_space<vmem>>) semaphore(%arg8 : memref<!tpu.dma_semaphore, #tpu.memory_space<semaphore_mem>>)
      } else {
      }
      %add3A_262 = arith.constant 1 : i32
      %add3A_263 = arith.addi %mul3A_149, %add3A_262 : i32
      %dma_wait3A_264 = arith.constant 1 : i32
      %dma_wait3A_265 = arith.constant 1 : i32
      %dma_wait3A_266 = arith.constant 0 : i32
      %dma_wait3A_267 = arith.constant 0 : i32
      %dma_wait3A_268 = tpu.memref_slice %arg6[%dma_wait3A_265, %dma_wait3A_266, %dma_wait3A_267] : memref<2x800x32xf32, #tpu.memory_space<vmem>> -> memref<1x800x32xf32, #tpu.memory_space<vmem>>
      %dma_wait3A_269 = tpu.memref_squeeze %dma_wait3A_268 : memref<1x800x32xf32, #tpu.memory_space<vmem>> -> memref<800x32xf32, #tpu.memory_space<vmem>>
      %dma_wait3A_270 = arith.constant 0 : i32
      %dma_wait3A_271 = tpu.memref_slice %arg5[%dma_wait3A_264, %dma_wait3A_270] : memref<2x800xi32, #tpu.memory_space<vmem>> -> memref<1x800xi32, #tpu.memory_space<vmem>>
      %dma_wait3A_272 = tpu.memref_squeeze %dma_wait3A_271 : memref<1x800xi32, #tpu.memory_space<vmem>> -> memref<800xi32, #tpu.memory_space<vmem>>
      %dma_wait3A_273 = arith.constant 0 : i32
      %dma_wait3A_274 = arith.constant 0 : i32
      %dma_wait3A_275 = tpu.memref_slice %arg3[%dma_wait3A_273, %dma_wait3A_274] : memref<1000000x32xf32, #tpu.memory_space<hbm>> -> memref<1000000x32xf32, #tpu.memory_space<hbm>>
      tpu.wait_indirect_dma semaphore(%arg9 : memref<!tpu.dma_semaphore, #tpu.memory_space<semaphore_mem>>) src(%dma_wait3A_275 : memref<1000000x32xf32, #tpu.memory_space<hbm>>) dst(%dma_wait3A_269 : memref<800x32xf32, #tpu.memory_space<vmem>>)
      %ge3A_276 = arith.constant 2 : i32
      %ge3A_277 = arith.cmpi sge, %add3A_263, %ge3A_276 : i32
      %convert_element_type3A_278 = arith.extui %ge3A_277 : i1 to i32
      %cond3A_279 = arith.constant 0 : i32
      %cond3A_280 = arith.cmpi ne, %convert_element_type3A_278, %cond3A_279 : i32
      scf.if %cond3A_280 {
        %sub3A_352 = arith.constant 2 : i32
        %sub3A_353 = arith.subi %add3A_263, %sub3A_352 : i32
        %mul3A_354 = arith.constant 16 : i32
        %mul3A_355 = arith.muli %sub3A_353, %mul3A_354 : i32
        %add3A_356 = arith.addi %mul3A_2, %mul3A_355 : i32
        %jit3A_357 = arith.constant 128 : i32
        %div3A_358 = arith.divsi %add3A_356, %jit3A_357 : i32
        %sign3A_359 = arith.constant 0 : i32
        %sign3A_360 = arith.cmpi sgt, %add3A_356, %sign3A_359 : i32
        %sign3A_361 = arith.extui %sign3A_360 : i1 to i32
        %sign3A_362 = arith.constant 0 : i32
        %sign3A_363 = arith.cmpi slt, %add3A_356, %sign3A_362 : i32
        %sign3A_364 = arith.extui %sign3A_363 : i1 to i32
        %sign3A_365 = arith.subi %sign3A_361, %sign3A_364 : i32
        %sign3A_366 = arith.constant 0 : i32
        %sign3A_367 = arith.cmpi sgt, %jit3A_357, %sign3A_366 : i32
        %sign3A_368 = arith.extui %sign3A_367 : i1 to i32
        %sign3A_369 = arith.constant 0 : i32
        %sign3A_370 = arith.cmpi slt, %jit3A_357, %sign3A_369 : i32
        %sign3A_371 = arith.extui %sign3A_370 : i1 to i32
        %sign3A_372 = arith.subi %sign3A_368, %sign3A_371 : i32
        %ne3A_373 = arith.cmpi ne, %sign3A_365, %sign3A_372 : i32
        %rem3A_374 = arith.remsi %add3A_356, %jit3A_357 : i32
        %ne3A_375 = arith.constant 0 : i32
        %ne3A_376 = arith.cmpi ne, %rem3A_374, %ne3A_375 : i32
        %and3A_377 = arith.andi %ne3A_373, %ne3A_376 : i1
        %sub3A_378 = arith.constant 1 : i32
        %sub3A_379 = arith.subi %div3A_358, %sub3A_378 : i32
        %select_n3A_380 = arith.select %and3A_377, %sub3A_379, %div3A_358 : i32
        %jit3A_381 = arith.constant 128 : i32
        %eq3A_382 = arith.constant 0 : i32
        %eq3A_383 = arith.cmpi eq, %jit3A_381, %eq3A_382 : i32
        %jit3A_384 = arith.constant 1 : i32
        %select_n3A_385 = arith.select %eq3A_383, %jit3A_384, %jit3A_381 : i32
        %rem3A_386 = arith.remsi %add3A_356, %select_n3A_385 : i32
        %ne3A_387 = arith.constant 0 : i32
        %ne3A_388 = arith.cmpi ne, %rem3A_386, %ne3A_387 : i32
        %lt3A_389 = arith.constant 0 : i32
        %lt3A_390 = arith.cmpi slt, %rem3A_386, %lt3A_389 : i32
        %lt3A_391 = arith.constant 0 : i32
        %lt3A_392 = arith.cmpi slt, %select_n3A_385, %lt3A_391 : i32
        %ne3A_393 = arith.xori %lt3A_390, %lt3A_392 : i1
        %and3A_394 = arith.andi %ne3A_393, %ne3A_388 : i1
        %add3A_395 = arith.addi %rem3A_386, %select_n3A_385 : i32
        %select_n3A_396 = arith.select %and3A_394, %add3A_395, %rem3A_386 : i32
        %multiple_of3A_397 = tpu.assume_multiple %select_n3A_396, 16 : i32
        %dma_wait3A_398 = arith.constant 1 : i32
        %dma_wait3A_399 = arith.constant 0 : i32
        %dma_wait3A_400 = arith.constant 0 : i32
        %dma_wait3A_401 = arith.constant 0 : i32
        %dma_wait3A_402 = arith.constant 0 : i32
        %dma_wait3A_403 = tpu.memref_slice %arg7[%dma_wait3A_398, %dma_wait3A_399, %dma_wait3A_400, %dma_wait3A_401, %dma_wait3A_402] : memref<2x50x4x8x16xf32, #tpu.memory_space<vmem>> -> memref<1x50x4x8x16xf32, #tpu.memory_space<vmem>>
        %dma_wait3A_404 = tpu.memref_squeeze %dma_wait3A_403 : memref<1x50x4x8x16xf32, #tpu.memory_space<vmem>> -> memref<50x4x8x16xf32, #tpu.memory_space<vmem>>
        %dma_wait3A_405 = arith.constant 0 : i32
        %dma_wait3A_406 = arith.constant 0 : i32
        %dma_wait3A_407 = arith.constant 0 : i32
        %dma_wait3A_408 = tpu.memref_slice %arg4[%dma_wait3A_405, %dma_wait3A_406, %select_n3A_380, %dma_wait3A_407, %multiple_of3A_397] : memref<50x4x128x8x128xf32, #tpu.memory_space<hbm>> -> memref<50x4x1x8x16xf32, #tpu.memory_space<hbm>>
        %dma_wait3A_409 = tpu.memref_squeeze %dma_wait3A_408 : memref<50x4x1x8x16xf32, #tpu.memory_space<hbm>> -> memref<50x4x8x16xf32, #tpu.memory_space<hbm>>
        %dma_wait3A_410 = arith.constant 0 : i32
        %dma_wait3A_411 = arith.constant 0 : i32
        %dma_wait3A_412 = arith.constant 0 : i32
        %dma_wait3A_413 = tpu.memref_slice %arg4[%dma_wait3A_410, %dma_wait3A_411, %select_n3A_380, %dma_wait3A_412, %multiple_of3A_397] : memref<50x4x128x8x128xf32, #tpu.memory_space<hbm>> -> memref<50x4x1x8x16xf32, #tpu.memory_space<hbm>>
        %dma_wait3A_414 = tpu.memref_squeeze %dma_wait3A_413 : memref<50x4x1x8x16xf32, #tpu.memory_space<hbm>> -> memref<50x4x8x16xf32, #tpu.memory_space<hbm>>
        %dma_wait3A_415 = arith.constant 0 : i32
        %dma_wait3A_416 = arith.constant 0 : i32
        %dma_wait3A_417 = arith.constant 0 : i32
        %dma_wait3A_418 = arith.constant 0 : i32
        %dma_wait3A_419 = tpu.memref_slice %arg7[%dma_wait3A_398, %dma_wait3A_415, %dma_wait3A_416, %dma_wait3A_417, %dma_wait3A_418] : memref<2x50x4x8x16xf32, #tpu.memory_space<vmem>> -> memref<1x50x4x8x16xf32, #tpu.memory_space<vmem>>
        %dma_wait3A_420 = tpu.memref_squeeze %dma_wait3A_419 : memref<1x50x4x8x16xf32, #tpu.memory_space<vmem>> -> memref<50x4x8x16xf32, #tpu.memory_space<vmem>>
        tpu.wait_dma2 semaphore(%arg11 : memref<!tpu.dma_semaphore, #tpu.memory_space<semaphore_mem>>) src(%dma_wait3A_420 : memref<50x4x8x16xf32, #tpu.memory_space<vmem>>) dst(%dma_wait3A_414 : memref<50x4x8x16xf32, #tpu.memory_space<hbm>>)
      } else {
      }
      %parallel_loop3A_281 = arith.constant 0 : i32
      %parallel_loop3A_282 = arith.constant 1600 : i32
      %parallel_loop3A_283 = arith.constant 1 : i32
      %parallel_loop3A_284 = arith.constant 1 : i32
      scf.for %parallel_loop3A_352 = %parallel_loop3A_281 to %parallel_loop3A_282 step %parallel_loop3A_283  : i32 {
        %parallel_loop3A_353 = arith.constant 5 : i32
        %parallel_loop3A_354 = arith.shrsi %parallel_loop3A_352, %parallel_loop3A_353 : i32
        %parallel_loop3A_355 = arith.constant 31 : i32
        %parallel_loop3A_356 = arith.andi %parallel_loop3A_352, %parallel_loop3A_355 : i32
        %parallel_loop3A_357 = vector.broadcast %parallel_loop3A_354 : i32 to vector<16xi32>
        %parallel_loop3A_358 = arith.addi %mul3A_5, %parallel_loop3A_357 : vector<16xi32>
        %parallel_loop3A_359 = vector.broadcast %parallel_loop3A_356 : i32 to vector<16xi32>
        %parallel_loop3A_360 = arith.constant 0 : i32
        %parallel_loop3A_361 = arith.constant 0 : i32
        %parallel_loop3A_362 = tpu.memref_slice %arg6[%parallel_loop3A_284, %parallel_loop3A_360, %parallel_loop3A_361] : memref<2x800x32xf32, #tpu.memory_space<vmem>> -> memref<1x800x32xf32, #tpu.memory_space<vmem>>
        %parallel_loop3A_363 = tpu.memref_squeeze %parallel_loop3A_362 : memref<1x800x32xf32, #tpu.memory_space<vmem>> -> memref<800x32xf32, #tpu.memory_space<vmem>>
        %parallel_loop3A_364 = tpu.vector_load_idx %parallel_loop3A_363[%parallel_loop3A_358, %parallel_loop3A_359] : memref<800x32xf32, #tpu.memory_space<vmem>>[vector<16xi32>, vector<16xi32>], vector<16xf32>,
        %parallel_loop3A_365 = arith.constant 5.000000e+01 : f32
        %parallel_loop3A_366 = vector.broadcast %parallel_loop3A_365 : f32 to vector<16xf32>
        %parallel_loop3A_367 = arith.mulf %parallel_loop3A_364, %parallel_loop3A_366 : vector<16xf32>
        %parallel_loop3A_368 = arith.constant 3 : i32
        %parallel_loop3A_369 = arith.shrsi %parallel_loop3A_352, %parallel_loop3A_368 : i32
        %parallel_loop3A_370 = arith.constant 3 : i32
        %parallel_loop3A_371 = arith.andi %parallel_loop3A_369, %parallel_loop3A_370 : i32
        %parallel_loop3A_372 = arith.constant 7 : i32
        %parallel_loop3A_373 = arith.andi %parallel_loop3A_352, %parallel_loop3A_372 : i32
        %parallel_loop3A_374 = arith.constant 1 : i32
        %parallel_loop3A_375 = arith.index_cast %parallel_loop3A_374 : i32 to index
        %parallel_loop3A_376 = arith.index_cast %parallel_loop3A_354 : i32 to index
        %parallel_loop3A_377 = arith.index_cast %parallel_loop3A_371 : i32 to index
        %parallel_loop3A_378 = arith.index_cast %parallel_loop3A_373 : i32 to index
        %parallel_loop3A_379 = arith.constant 0 : index
        %parallel_loop3A_380 = tpu.vector_load %arg7[%parallel_loop3A_375, %parallel_loop3A_376, %parallel_loop3A_377, %parallel_loop3A_378, %parallel_loop3A_379] {strides = array<i32>} : memref<2x50x4x8x16xf32, #tpu.memory_space<vmem>>, vector<16xf32>,
        tpu.vector_store %arg7[%parallel_loop3A_375, %parallel_loop3A_376, %parallel_loop3A_377, %parallel_loop3A_378, %parallel_loop3A_379], %parallel_loop3A_367 {strides = array<i32>} : memref<2x50x4x8x16xf32, #tpu.memory_space<vmem>>, vector<16xf32>,
      } {sc.loop_unroll_factor = 8 : i64, sc.parallel_access}
      %mul3A_285 = arith.constant 16 : i32
      %mul3A_286 = arith.muli %add3A_263, %mul3A_285 : i32
      %add3A_287 = arith.addi %mul3A_2, %mul3A_286 : i32
      %jit3A_288 = arith.constant 128 : i32
      %div3A_289 = arith.divsi %add3A_287, %jit3A_288 : i32
      %sign3A_290 = arith.constant 0 : i32
      %sign3A_291 = arith.cmpi sgt, %add3A_287, %sign3A_290 : i32
      %sign3A_292 = arith.extui %sign3A_291 : i1 to i32
      %sign3A_293 = arith.constant 0 : i32
      %sign3A_294 = arith.cmpi slt, %add3A_287, %sign3A_293 : i32
      %sign3A_295 = arith.extui %sign3A_294 : i1 to i32
      %sign3A_296 = arith.subi %sign3A_292, %sign3A_295 : i32
      %sign3A_297 = arith.constant 0 : i32
      %sign3A_298 = arith.cmpi sgt, %jit3A_288, %sign3A_297 : i32
      %sign3A_299 = arith.extui %sign3A_298 : i1 to i32
      %sign3A_300 = arith.constant 0 : i32
      %sign3A_301 = arith.cmpi slt, %jit3A_288, %sign3A_300 : i32
      %sign3A_302 = arith.extui %sign3A_301 : i1 to i32
      %sign3A_303 = arith.subi %sign3A_299, %sign3A_302 : i32
      %ne3A_304 = arith.cmpi ne, %sign3A_296, %sign3A_303 : i32
      %rem3A_305 = arith.remsi %add3A_287, %jit3A_288 : i32
      %ne3A_306 = arith.constant 0 : i32
      %ne3A_307 = arith.cmpi ne, %rem3A_305, %ne3A_306 : i32
      %and3A_308 = arith.andi %ne3A_304, %ne3A_307 : i1
      %sub3A_309 = arith.constant 1 : i32
      %sub3A_310 = arith.subi %div3A_289, %sub3A_309 : i32
      %select_n3A_311 = arith.select %and3A_308, %sub3A_310, %div3A_289 : i32
      %jit3A_312 = arith.constant 128 : i32
      %eq3A_313 = arith.constant 0 : i32
      %eq3A_314 = arith.cmpi eq, %jit3A_312, %eq3A_313 : i32
      %jit3A_315 = arith.constant 1 : i32
      %select_n3A_316 = arith.select %eq3A_314, %jit3A_315, %jit3A_312 : i32
      %rem3A_317 = arith.remsi %add3A_287, %select_n3A_316 : i32
      %ne3A_318 = arith.constant 0 : i32
      %ne3A_319 = arith.cmpi ne, %rem3A_317, %ne3A_318 : i32
      %lt3A_320 = arith.constant 0 : i32
      %lt3A_321 = arith.cmpi slt, %rem3A_317, %lt3A_320 : i32
      %lt3A_322 = arith.constant 0 : i32
      %lt3A_323 = arith.cmpi slt, %select_n3A_316, %lt3A_322 : i32
      %ne3A_324 = arith.xori %lt3A_321, %lt3A_323 : i1
      %and3A_325 = arith.andi %ne3A_324, %ne3A_319 : i1
      %add3A_326 = arith.addi %rem3A_317, %select_n3A_316 : i32
      %select_n3A_327 = arith.select %and3A_325, %add3A_326, %rem3A_317 : i32
      %multiple_of3A_328 = tpu.assume_multiple %select_n3A_327, 16 : i32
      %dma_start3A_329 = arith.constant 1 : i32
      %dma_start3A_330 = arith.constant 0 : i32
      %dma_start3A_331 = arith.constant 0 : i32
      %dma_start3A_332 = arith.constant 0 : i32
      %dma_start3A_333 = arith.constant 0 : i32
      %dma_start3A_334 = tpu.memref_slice %arg7[%dma_start3A_329, %dma_start3A_330, %dma_start3A_331, %dma_start3A_332, %dma_start3A_333] : memref<2x50x4x8x16xf32, #tpu.memory_space<vmem>> -> memref<1x50x4x8x16xf32, #tpu.memory_space<vmem>>
      %dma_start3A_335 = tpu.memref_squeeze %dma_start3A_334 : memref<1x50x4x8x16xf32, #tpu.memory_space<vmem>> -> memref<50x4x8x16xf32, #tpu.memory_space<vmem>>
      %dma_start3A_336 = arith.constant 0 : i32
      %dma_start3A_337 = arith.constant 0 : i32
      %dma_start3A_338 = arith.constant 0 : i32
      %dma_start3A_339 = tpu.memref_slice %arg4[%dma_start3A_336, %dma_start3A_337, %select_n3A_311, %dma_start3A_338, %multiple_of3A_328] : memref<50x4x128x8x128xf32, #tpu.memory_space<hbm>> -> memref<50x4x1x8x16xf32, #tpu.memory_space<hbm>>
      %dma_start3A_340 = tpu.memref_squeeze %dma_start3A_339 : memref<50x4x1x8x16xf32, #tpu.memory_space<hbm>> -> memref<50x4x8x16xf32, #tpu.memory_space<hbm>>
      %dma_start3A_341 = arith.constant 0 : i32
      %dma_start3A_342 = arith.constant 0 : i32
      %dma_start3A_343 = arith.constant 0 : i32
      %dma_start3A_344 = tpu.memref_slice %arg4[%dma_start3A_341, %dma_start3A_342, %select_n3A_311, %dma_start3A_343, %multiple_of3A_328] : memref<50x4x128x8x128xf32, #tpu.memory_space<hbm>> -> memref<50x4x1x8x16xf32, #tpu.memory_space<hbm>>
      %dma_start3A_345 = tpu.memref_squeeze %dma_start3A_344 : memref<50x4x1x8x16xf32, #tpu.memory_space<hbm>> -> memref<50x4x8x16xf32, #tpu.memory_space<hbm>>
      %dma_start3A_346 = arith.constant 0 : i32
      %dma_start3A_347 = arith.constant 0 : i32
      %dma_start3A_348 = arith.constant 0 : i32
      %dma_start3A_349 = arith.constant 0 : i32
      %dma_start3A_350 = tpu.memref_slice %arg7[%dma_start3A_329, %dma_start3A_346, %dma_start3A_347, %dma_start3A_348, %dma_start3A_349] : memref<2x50x4x8x16xf32, #tpu.memory_space<vmem>> -> memref<1x50x4x8x16xf32, #tpu.memory_space<vmem>>
      %dma_start3A_351 = tpu.memref_squeeze %dma_start3A_350 : memref<1x50x4x8x16xf32, #tpu.memory_space<vmem>> -> memref<50x4x8x16xf32, #tpu.memory_space<vmem>>
      tpu.enqueue_dma source(%dma_start3A_351 : memref<50x4x8x16xf32, #tpu.memory_space<vmem>>) target(%dma_start3A_345 : memref<50x4x8x16xf32, #tpu.memory_space<hbm>>) target_semaphore(%arg11 : memref<!tpu.dma_semaphore, #tpu.memory_space<semaphore_mem>>)
    }
    %scan3A_25 = arith.constant 16 : i32
    %add3A_26 = arith.constant 480 : i32
    %add3A_27 = arith.addi %mul3A_2, %add3A_26 : i32
    %jit3A = arith.constant 128 : i32
    %div3A = arith.divsi %add3A_27, %jit3A : i32
    %sign3A = arith.constant 0 : i32
    %sign3A_28 = arith.cmpi sgt, %add3A_27, %sign3A : i32
    %sign3A_29 = arith.extui %sign3A_28 : i1 to i32
    %sign3A_30 = arith.constant 0 : i32
    %sign3A_31 = arith.cmpi slt, %add3A_27, %sign3A_30 : i32
    %sign3A_32 = arith.extui %sign3A_31 : i1 to i32
    %sign3A_33 = arith.subi %sign3A_29, %sign3A_32 : i32
    %sign3A_34 = arith.constant 0 : i32
    %sign3A_35 = arith.cmpi sgt, %jit3A, %sign3A_34 : i32
    %sign3A_36 = arith.extui %sign3A_35 : i1 to i32
    %sign3A_37 = arith.constant 0 : i32
    %sign3A_38 = arith.cmpi slt, %jit3A, %sign3A_37 : i32
    %sign3A_39 = arith.extui %sign3A_38 : i1 to i32
    %sign3A_40 = arith.subi %sign3A_36, %sign3A_39 : i32
    %ne3A = arith.cmpi ne, %sign3A_33, %sign3A_40 : i32
    %rem3A = arith.remsi %add3A_27, %jit3A : i32
    %ne3A_41 = arith.constant 0 : i32
    %ne3A_42 = arith.cmpi ne, %rem3A, %ne3A_41 : i32
    %and3A = arith.andi %ne3A, %ne3A_42 : i1
    %sub3A = arith.constant 1 : i32
    %sub3A_43 = arith.subi %div3A, %sub3A : i32
    %select_n3A = arith.select %and3A, %sub3A_43, %div3A : i32
    %jit3A_44 = arith.constant 128 : i32
    %eq3A = arith.constant 0 : i32
    %eq3A_45 = arith.cmpi eq, %jit3A_44, %eq3A : i32
    %jit3A_46 = arith.constant 1 : i32
    %select_n3A_47 = arith.select %eq3A_45, %jit3A_46, %jit3A_44 : i32
    %rem3A_48 = arith.remsi %add3A_27, %select_n3A_47 : i32
    %ne3A_49 = arith.constant 0 : i32
    %ne3A_50 = arith.cmpi ne, %rem3A_48, %ne3A_49 : i32
    %lt3A = arith.constant 0 : i32
    %lt3A_51 = arith.cmpi slt, %rem3A_48, %lt3A : i32
    %lt3A_52 = arith.constant 0 : i32
    %lt3A_53 = arith.cmpi slt, %select_n3A_47, %lt3A_52 : i32
    %ne3A_54 = arith.xori %lt3A_51, %lt3A_53 : i1
    %and3A_55 = arith.andi %ne3A_54, %ne3A_50 : i1
    %add3A_56 = arith.addi %rem3A_48, %select_n3A_47 : i32
    %select_n3A_57 = arith.select %and3A_55, %add3A_56, %rem3A_48 : i32
    %multiple_of3A_58 = tpu.assume_multiple %select_n3A_57, 16 : i32
    %dma_wait3A = arith.constant 0 : i32
    %dma_wait3A_59 = arith.constant 0 : i32
    %dma_wait3A_60 = arith.constant 0 : i32
    %dma_wait3A_61 = arith.constant 0 : i32
    %dma_wait3A_62 = arith.constant 0 : i32
    %dma_wait3A_63 = tpu.memref_slice %arg7[%dma_wait3A, %dma_wait3A_59, %dma_wait3A_60, %dma_wait3A_61, %dma_wait3A_62] : memref<2x50x4x8x16xf32, #tpu.memory_space<vmem>> -> memref<1x50x4x8x16xf32, #tpu.memory_space<vmem>>
    %dma_wait3A_64 = tpu.memref_squeeze %dma_wait3A_63 : memref<1x50x4x8x16xf32, #tpu.memory_space<vmem>> -> memref<50x4x8x16xf32, #tpu.memory_space<vmem>>
    %dma_wait3A_65 = arith.constant 0 : i32
    %dma_wait3A_66 = arith.constant 0 : i32
    %dma_wait3A_67 = arith.constant 0 : i32
    %dma_wait3A_68 = tpu.memref_slice %arg4[%dma_wait3A_65, %dma_wait3A_66, %select_n3A, %dma_wait3A_67, %multiple_of3A_58] : memref<50x4x128x8x128xf32, #tpu.memory_space<hbm>> -> memref<50x4x1x8x16xf32, #tpu.memory_space<hbm>>
    %dma_wait3A_69 = tpu.memref_squeeze %dma_wait3A_68 : memref<50x4x1x8x16xf32, #tpu.memory_space<hbm>> -> memref<50x4x8x16xf32, #tpu.memory_space<hbm>>
    %dma_wait3A_70 = arith.constant 0 : i32
    %dma_wait3A_71 = arith.constant 0 : i32
    %dma_wait3A_72 = arith.constant 0 : i32
    %dma_wait3A_73 = tpu.memref_slice %arg4[%dma_wait3A_70, %dma_wait3A_71, %select_n3A, %dma_wait3A_72, %multiple_of3A_58] : memref<50x4x128x8x128xf32, #tpu.memory_space<hbm>> -> memref<50x4x1x8x16xf32, #tpu.memory_space<hbm>>
    %dma_wait3A_74 = tpu.memref_squeeze %dma_wait3A_73 : memref<50x4x1x8x16xf32, #tpu.memory_space<hbm>> -> memref<50x4x8x16xf32, #tpu.memory_space<hbm>>
    %dma_wait3A_75 = arith.constant 0 : i32
    %dma_wait3A_76 = arith.constant 0 : i32
    %dma_wait3A_77 = arith.constant 0 : i32
    %dma_wait3A_78 = arith.constant 0 : i32
    %dma_wait3A_79 = tpu.memref_slice %arg7[%dma_wait3A, %dma_wait3A_75, %dma_wait3A_76, %dma_wait3A_77, %dma_wait3A_78] : memref<2x50x4x8x16xf32, #tpu.memory_space<vmem>> -> memref<1x50x4x8x16xf32, #tpu.memory_space<vmem>>
    %dma_wait3A_80 = tpu.memref_squeeze %dma_wait3A_79 : memref<1x50x4x8x16xf32, #tpu.memory_space<vmem>> -> memref<50x4x8x16xf32, #tpu.memory_space<vmem>>
    tpu.wait_dma2 semaphore(%arg10 : memref<!tpu.dma_semaphore, #tpu.memory_space<semaphore_mem>>) src(%dma_wait3A_80 : memref<50x4x8x16xf32, #tpu.memory_space<vmem>>) dst(%dma_wait3A_74 : memref<50x4x8x16xf32, #tpu.memory_space<hbm>>)
    %add3A_81 = arith.constant 496 : i32
    %add3A_82 = arith.addi %mul3A_2, %add3A_81 : i32
    %jit3A_83 = arith.constant 128 : i32
    %div3A_84 = arith.divsi %add3A_82, %jit3A_83 : i32
    %sign3A_85 = arith.constant 0 : i32
    %sign3A_86 = arith.cmpi sgt, %add3A_82, %sign3A_85 : i32
    %sign3A_87 = arith.extui %sign3A_86 : i1 to i32
    %sign3A_88 = arith.constant 0 : i32
    %sign3A_89 = arith.cmpi slt, %add3A_82, %sign3A_88 : i32
    %sign3A_90 = arith.extui %sign3A_89 : i1 to i32
    %sign3A_91 = arith.subi %sign3A_87, %sign3A_90 : i32
    %sign3A_92 = arith.constant 0 : i32
    %sign3A_93 = arith.cmpi sgt, %jit3A_83, %sign3A_92 : i32
    %sign3A_94 = arith.extui %sign3A_93 : i1 to i32
    %sign3A_95 = arith.constant 0 : i32
    %sign3A_96 = arith.cmpi slt, %jit3A_83, %sign3A_95 : i32
    %sign3A_97 = arith.extui %sign3A_96 : i1 to i32
    %sign3A_98 = arith.subi %sign3A_94, %sign3A_97 : i32
    %ne3A_99 = arith.cmpi ne, %sign3A_91, %sign3A_98 : i32
    %rem3A_100 = arith.remsi %add3A_82, %jit3A_83 : i32
    %ne3A_101 = arith.constant 0 : i32
    %ne3A_102 = arith.cmpi ne, %rem3A_100, %ne3A_101 : i32
    %and3A_103 = arith.andi %ne3A_99, %ne3A_102 : i1
    %sub3A_104 = arith.constant 1 : i32
    %sub3A_105 = arith.subi %div3A_84, %sub3A_104 : i32
    %select_n3A_106 = arith.select %and3A_103, %sub3A_105, %div3A_84 : i32
    %jit3A_107 = arith.constant 128 : i32
    %eq3A_108 = arith.constant 0 : i32
    %eq3A_109 = arith.cmpi eq, %jit3A_107, %eq3A_108 : i32
    %jit3A_110 = arith.constant 1 : i32
    %select_n3A_111 = arith.select %eq3A_109, %jit3A_110, %jit3A_107 : i32
    %rem3A_112 = arith.remsi %add3A_82, %select_n3A_111 : i32
    %ne3A_113 = arith.constant 0 : i32
    %ne3A_114 = arith.cmpi ne, %rem3A_112, %ne3A_113 : i32
    %lt3A_115 = arith.constant 0 : i32
    %lt3A_116 = arith.cmpi slt, %rem3A_112, %lt3A_115 : i32
    %lt3A_117 = arith.constant 0 : i32
    %lt3A_118 = arith.cmpi slt, %select_n3A_111, %lt3A_117 : i32
    %ne3A_119 = arith.xori %lt3A_116, %lt3A_118 : i1
    %and3A_120 = arith.andi %ne3A_119, %ne3A_114 : i1
    %add3A_121 = arith.addi %rem3A_112, %select_n3A_111 : i32
    %select_n3A_122 = arith.select %and3A_120, %add3A_121, %rem3A_112 : i32
    %multiple_of3A_123 = tpu.assume_multiple %select_n3A_122, 16 : i32
    %dma_wait3A_124 = arith.constant 1 : i32
    %dma_wait3A_125 = arith.constant 0 : i32
    %dma_wait3A_126 = arith.constant 0 : i32
    %dma_wait3A_127 = arith.constant 0 : i32
    %dma_wait3A_128 = arith.constant 0 : i32
    %dma_wait3A_129 = tpu.memref_slice %arg7[%dma_wait3A_124, %dma_wait3A_125, %dma_wait3A_126, %dma_wait3A_127, %dma_wait3A_128] : memref<2x50x4x8x16xf32, #tpu.memory_space<vmem>> -> memref<1x50x4x8x16xf32, #tpu.memory_space<vmem>>
    %dma_wait3A_130 = tpu.memref_squeeze %dma_wait3A_129 : memref<1x50x4x8x16xf32, #tpu.memory_space<vmem>> -> memref<50x4x8x16xf32, #tpu.memory_space<vmem>>
    %dma_wait3A_131 = arith.constant 0 : i32
    %dma_wait3A_132 = arith.constant 0 : i32
    %dma_wait3A_133 = arith.constant 0 : i32
    %dma_wait3A_134 = tpu.memref_slice %arg4[%dma_wait3A_131, %dma_wait3A_132, %select_n3A_106, %dma_wait3A_133, %multiple_of3A_123] : memref<50x4x128x8x128xf32, #tpu.memory_space<hbm>> -> memref<50x4x1x8x16xf32, #tpu.memory_space<hbm>>
    %dma_wait3A_135 = tpu.memref_squeeze %dma_wait3A_134 : memref<50x4x1x8x16xf32, #tpu.memory_space<hbm>> -> memref<50x4x8x16xf32, #tpu.memory_space<hbm>>
    %dma_wait3A_136 = arith.constant 0 : i32
    %dma_wait3A_137 = arith.constant 0 : i32
    %dma_wait3A_138 = arith.constant 0 : i32
    %dma_wait3A_139 = tpu.memref_slice %arg4[%dma_wait3A_136, %dma_wait3A_137, %select_n3A_106, %dma_wait3A_138, %multiple_of3A_123] : memref<50x4x128x8x128xf32, #tpu.memory_space<hbm>> -> memref<50x4x1x8x16xf32, #tpu.memory_space<hbm>>
    %dma_wait3A_140 = tpu.memref_squeeze %dma_wait3A_139 : memref<50x4x1x8x16xf32, #tpu.memory_space<hbm>> -> memref<50x4x8x16xf32, #tpu.memory_space<hbm>>
    %dma_wait3A_141 = arith.constant 0 : i32
    %dma_wait3A_142 = arith.constant 0 : i32
    %dma_wait3A_143 = arith.constant 0 : i32
    %dma_wait3A_144 = arith.constant 0 : i32
    %dma_wait3A_145 = tpu.memref_slice %arg7[%dma_wait3A_124, %dma_wait3A_141, %dma_wait3A_142, %dma_wait3A_143, %dma_wait3A_144] : memref<2x50x4x8x16xf32, #tpu.memory_space<vmem>> -> memref<1x50x4x8x16xf32, #tpu.memory_space<vmem>>
    %dma_wait3A_146 = tpu.memref_squeeze %dma_wait3A_145 : memref<1x50x4x8x16xf32, #tpu.memory_space<vmem>> -> memref<50x4x8x16xf32, #tpu.memory_space<vmem>>
    tpu.wait_dma2 semaphore(%arg11 : memref<!tpu.dma_semaphore, #tpu.memory_space<semaphore_mem>>) src(%dma_wait3A_146 : memref<50x4x8x16xf32, #tpu.memory_space<vmem>>) dst(%dma_wait3A_140 : memref<50x4x8x16xf32, #tpu.memory_space<hbm>>)
    return
  }
}

</mosaic_0001>

<sc_bundles>
// kernel: kernel.3.cloned.1.call-start
scs
__scs_entry_jumppad:
0x0: {  	(pc) =	sbr.rel $0x88, $3  }
0x1: {  	(tag) =	ssettag $0x0;
	lr =	simm.s32 $0x1  }
0x2: {  	[smem:$0x3F9F] =	sst lr;
	_ =	strace $0xD0000000  }
0x3: {  	_ = 	snop  }
0x4: {  	_ = 	snop  }
0x5: {  	_ = 	snop  }
0x6: {  	_ = 	snop  }
0x7: {  	_ = 	snop  }
__scs_overlays_trampoline_lowered:
0x8: {  	[smem:$0x3FAE] =	sst s0  }
0x9: {  	[smem:$0x3FAF] =	sst s1  }
0xa: {  	[smem:$0x3FB0] =	sst s2  }
0xb: {  	[smem:$0x3FB1] =	sst s3  }
0xc: {  	[smem:$0x3FB2] =	sst s4  }
0xd: {  	[smem:$0x3FB3] =	sst s5  }
0xe: {  	[smem:$0x3FB4] =	sst s6  }
0xf: {  	[smem:$0x3FB5] =	sst s7  }
0x10: {  	[smem:$0x3FB6] =	sst s8  }
0x11: {  	[smem:$0x3FB7] =	sst s9;
	s0 =	simm.s32 @!p0 $0x0  }
0x12: {  	s1 =	sld [smem:$0x3F9D];
	s0 =	simm.s32 @p0 $0x1  }
0x13: {  	[smem:$0x3FB8] =	sst s0;
	s0 =	simm.s32 @!p1 $0x0  }
0x14: {  	s2 =	sld [smem:$0x3F9C];
	s0 =	simm.s32 @p1 $0x1  }
0x15: {  	[smem:$0x3FB9] =	sst s0;
	s0 =	simm.s32 @!p2 $0x0  }
0x16: {  	s3 =	sld [smem:$0x3FDB];
	s0 =	simm.s32 @p2 $0x1  }
0x17: {  	s4 =	simm.s32 $0x1BF5;
	[smem:$0x3FBB] =	sst s0  }
0x18: {  	s0 =	sld [smem:$0x3F9E];
	_ =	swait.ge [sflag:s4], $0x0  }
0x19: {  	s7 =	sld [smem:$0x3F9F]  }
0x1a: {  	s8 =	sadd.s32 $0xFFFFE003, lr  }
0x1b: {  	s9 =	sadd.s32 $0xFFFFFEF7, lr;
	s5 =	simm.s32 $0xFFFFFFFF;
	p2 =	slt.u32 s8, $0xFFFFF086  }
0x1c: {  	p1 =	slt.u32 s9, $0xF7A;
	s5 =	simm.s32 @!p2 $0x0  }
0x1d: {  	s5 =	simm.s32 @p1 $0x1;
	p0 =	seq.s32 s7, s2  }
0x1e: {  	s7 =	smul.u32 @!p0 $0xF7A, s2;
	p2 =	seq.s32 @!p0 s5, $0x0  }
0x1f: {  	s9 =	smul.u32 $0xF7A, s1;
	s8 =	simm.s32 @!p0 $0x1BF5;
	p2 =	por !p2, p0  }
0x20: {  	[sflag:s8] =	ssyncset.s32 @!p0 $0xFFFFF086;
	s6 =	sadd.s32 @!p0 s3, s7;
	s7 =	simm.s32 @!p0 $0x108  }
0x21: {  	s3 =	sadd.s32 s3, s9;
	s6 =	sadd.s32 @!p0 $0x88, s6;
	s7 =	simm.s32 @p2 $0x1082  }
0x22: {  	[simem:s7], [sflag:s8] =	dma.local @!p0 [hbm:s6], $0xF7A  }
0x23: {  	s9 =	sor.u32 $0xD0000000, s2;
	s6 =	simm.s32 $0x108;
	_ =	swait.ge @!p0 [sflag:s8], $0x0  }
0x24: {  	s3 =	sadd.s32 $0x88, s3;
	s6 =	simm.s32 @!p1 $0x1082;
	[sflag:s4] =	ssyncset.s32 $0xFFFFF086  }
0x25: {  	[simem:s6], [sflag:s4] =	dma.local [hbm:s3], $0xF7A  }
0x26: {  	[smem:$0x3F9F] =	sst s1;
	(tag) =	ssettag s2;
	_ =	strace s9  }
0x27: {  	s1 =	sld [smem:$0x3FAF]  }
0x28: {  	s2 =	sld [smem:$0x3FB0]  }
0x29: {  	s4 =	sld [smem:$0x3FB2]  }
0x2a: {  	p0 =	seq.s32 s5, $0x0;
	s5 =	sld [smem:$0x3FB3]  }
0x2b: {  	s6 =	sld [smem:$0x3FB4]  }
0x2c: {  	s7 =	sld [smem:$0x3FB5]  }
0x2d: {  	s3 =	simm.s32 $0x108;
	s8 =	sld [smem:$0x3FB6]  }
0x2e: {  	s3 =	simm.s32 @!p0 $0x1082;
	s9 =	sld [smem:$0x3FB7]  }
0x2f: {  	lr =	sadd.s32 s0, s3;
	s0 =	sld [smem:$0x3FAE]  }
0x30: {  	s3 =	sld [smem:$0x3FB1]  }
0x31: {  	[smem:$0x3FBA] =	sst s10  }
0x32: {  	s10 =	sld [smem:$0x3FB8];
	_ =	sdelay $0x3  }
0x33: {  	p0 =	seq.s32 s10, $0x1;
	s10 =	sld [smem:$0x3FBA];
	_ =	sdelay $0x3  }
0x34: {  	[smem:$0x3FBA] =	sst s10  }
0x35: {  	s10 =	sld [smem:$0x3FB9];
	_ =	sdelay $0x3  }
0x36: {  	p1 =	seq.s32 s10, $0x1;
	s10 =	sld [smem:$0x3FBA];
	_ =	sdelay $0x3  }
0x37: {  	[smem:$0x3FBA] =	sst s10  }
0x38: {  	s10 =	sld [smem:$0x3FBB]  }
0x39: {  	_ = 	snop;
	(pc) =	sbr.ind lr, $3  }
0x3a: {  	_ = 	snop  }
0x3b: {  	_ = 	snop  }
0x3c: {  	p2 =	seq.s32 s10, $0x1;
	s10 =	sld [smem:$0x3FBA]  }
0x3d: {  	_ =	shalt  }
0x3e: {  	_ =	shalt  }
0x3f: {  	_ =	shalt  }
0x40: {  	_ =	shalt  }
0x41: {  	_ =	shalt  }
0x42: {  	_ =	shalt  }
0x43: {  	_ =	shalt  }
0x44: {  	_ =	shalt  }
0x45: {  	_ =	shalt  }
0x46: {  	_ =	shalt  }
0x47: {  	_ =	shalt  }
0x48: {  	_ =	shalt  }
0x49: {  	_ =	shalt  }
0x4a: {  	_ =	shalt  }
0x4b: {  	_ =	shalt  }
0x4c: {  	_ =	shalt  }
0x4d: {  	_ =	shalt  }
0x4e: {  	_ =	shalt  }
0x4f: {  	_ =	shalt  }
0x50: {  	_ =	shalt  }
0x51: {  	_ =	shalt  }
0x52: {  	_ =	shalt  }
0x53: {  	_ =	shalt  }
0x54: {  	_ =	shalt  }
0x55: {  	_ =	shalt  }
0x56: {  	_ =	shalt  }
0x57: {  	_ =	shalt  }
0x58: {  	_ =	shalt  }
0x59: {  	_ =	shalt  }
0x5a: {  	_ =	shalt  }
0x5b: {  	_ =	shalt  }
0x5c: {  	_ =	shalt  }
0x5d: {  	_ =	shalt  }
0x5e: {  	_ =	shalt  }
0x5f: {  	_ =	shalt  }
0x60: {  	_ =	shalt  }
0x61: {  	_ =	shalt  }
0x62: {  	_ =	shalt  }
0x63: {  	_ =	shalt  }
0x64: {  	_ =	shalt  }
0x65: {  	_ =	shalt  }
0x66: {  	_ =	shalt  }
0x67: {  	_ =	shalt  }
0x68: {  	_ =	shalt  }
0x69: {  	_ =	shalt  }
0x6a: {  	_ =	shalt  }
0x6b: {  	_ =	shalt  }
0x6c: {  	_ =	shalt  }
0x6d: {  	_ =	shalt  }
0x6e: {  	_ =	shalt  }
0x6f: {  	_ =	shalt  }
0x70: {  	_ =	shalt  }
0x71: {  	_ =	shalt  }
0x72: {  	_ =	shalt  }
0x73: {  	_ =	shalt  }
0x74: {  	_ =	shalt  }
0x75: {  	_ =	shalt  }
0x76: {  	_ =	shalt  }
0x77: {  	_ =	shalt  }
0x78: {  	_ =	shalt  }
0x79: {  	_ =	shalt  }
0x7a: {  	_ =	shalt  }
0x7b: {  	_ =	shalt  }
0x7c: {  	_ =	shalt  }
0x7d: {  	_ =	shalt  }
0x7e: {  	_ =	shalt  }
0x7f: {  	_ =	shalt  }
0x80: {  	_ =	shalt  }
0x81: {  	_ =	shalt  }
0x82: {  	_ =	shalt  }
0x83: {  	_ =	shalt  }
0x84: {  	_ =	shalt  }
0x85: {  	_ =	shalt  }
0x86: {  	_ =	shalt  }
0x87: {  	_ =	shalt  }
.Lfunc_end0:
.L_simem_size_0:
called_computation_lowered:
.L_overlay_start_0:
0x88: {  	s2 =	sld [smem:$0x3FD9]  }
0x89: {  	s3 =	sld [smem:$0x3FFE];
	_ =	sdelay $0x1  }
0x8a: {  	s1 =	srdreg.scid  }
0x8b: {  	s0 =	sand.u32 $0x1, s1  }
0x8c: {  	s17 =	sshll.u32 s0, $0xA;
	s2 =	sadd.s32 s3, s2  }
0x8d: {  	s2 =	sadd.s32 s2, s17  }
0x8e: {  	[smem:$0x3FC6] =	sst s2  }
0x8f: {  	_ = 	snop  }
0x90: {  	s2 =	sld [smem:$0x3FD0];
	(tm) =	ssettm $0x1  }
0x91: {  	s18 =	sld [smem:$0x3FFB];
	_ =	sdelay $0x3  }
0x92: {  	_ =	strace s18  }
0x93: {  	s3 =	sld [smem:$0x3FFC];
	_ =	sdelay $0x3  }
0x94: {  	_ =	strace s3  }
0x95: {  	s3 =	sld [smem:$0x3FFD];
	_ =	sdelay $0x3  }
0x96: {  	_ =	strace s3  }
0x97: {  	_ =	strace $0x8FFFFFFF  }
0x98: {  	s19 =	sld [smem:$0x3FDB];
	_ =	sdelay $0x1  }
0x99: {  	s4 =	simm.s32 $_scs_section_size  }
0x9a: {  	s5 =	simm.s32 $_size__tile_overlayer_lowered;
	s6 =	simm.s32 $_tile_overlayer_lowered  }
0x9b: {  	s22 =	simm.s32 $0x1BFF;
	s21 =	sshll.u32 s6, $0x1;
	s3 =	sadd.s32 s4, s19  }
0x9c: {  	s7 =	simm.s32 $0x0;
	s20 =	sshll.u32 s5, $0x1;
	s5 =	sadd.s32 s21, s3  }
0x9d: {  	[timem:s7], [sflag:s22] =	dma.local [hbm:s5], s20  }
0x9e: {  	_ =	swait.ge [sflag:s22], s20  }
0x9f: {  	s4 =	ssub.s32 $0x0, s20;
	[sflag:s22] =	ssyncset.done $0x0  }
0xa0: {  	[sflag:s22] =	ssyncadd.s32 s4;
	_ =	sdelay $0x1  }
0xa1: {  	s23 =	simm.s32 $0x1B8B  }
0xa2: {  	_ =	swait.ge [sflag:s23], $0x1  }
0xa3: {  	[sflag:s23] =	ssyncset.done $0x0  }
0xa4: {  	s25 =	simm.s32 $0x1B8E;
	s24 =	sld [smem:$0x3FFE];
	[sflag:s23] =	ssyncadd.s32 $0xFFFFFFFF  }
0xa5: {  	s26 =	simm.s32 $execute0_lowered;
	[smem:$0x3FD2] =	sst s25  }
0xa6: {  	s5 =	sshll.u32 s26, $0x1;
	_ =	strace $0x80000046;
	[dreg:$0x1] =	wrdreg $0xFFFFFFFF  }
0xa7: {  	s28 =	simm.s32 $_size_execute0_lowered;
	s3 =	sadd.s32 s3, s5;
	[dreg:$0x0] =	wrdreg $0x0  }
0xa8: {  	s5 =	sshll.u32 s28, $0x1;
	[dreg:$0x2] =	wrdreg s3  }
0xa9: {  	[dreg:$0x3] =	wrdreg s5  }
0xaa: {  	[dreg:$0x4] =	wrdreg $0xC0  }
0xab: {  	_ =	task [dreg:s7], $0x5FFFF  }
0xac: {  	[dreg:$0x1] =	wrdreg $0xFFFFFFFF  }
0xad: {  	[dreg:$0x0] =	wrdreg $0x60  }
0xae: {  	[dreg:$0x2] =	wrdreg s24  }
0xaf: {  	[dreg:$0x3] =	wrdreg s2  }
0xb0: {  	[dreg:$0x4] =	wrdreg $0x9  }
0xb1: {  	_ =	task.clear_ibuf [dreg:s7], $0x5FFFF;
	_ =	strace $0x90000046  }
0xb2: {  	s29 =	simm.s32 $0x9;
	_ =	strace $0x80000048  }
0xb3: {  	_ =	swait.ge [sflag:s29], $0x1  }
0xb4: {  	[sflag:s29] =	ssyncadd.s32 $0xFFFFFFFF  }
0xb5: {  	_ =	strace $0x90000048  }
0xb6: {  	_ =	sfence  }
0xb7: {  	s30 =	sld [smem:$0x0];
	_ =	sdelay $0x2  }
0xb8: {  	s31 =	sshll.u32 s1, $0xD;
	s1 =	sshrl.u32 s1, $0x2  }
0xb9: {  	s3 =	sand.u32 $0x4000, s31;
	s1 =	sadd.s32 s1, s30  }
0xba: {  	s0 =	sor.u32 s3, s0;
	s1 =	sshll.u32 s1, $0x11  }
0xbb: {  	s0 =	sor.u32 s1, s0  }
0xbc: {  	s0 =	sadd.s32 $0x8F2B, s0  }
0xbd: {  	[sflag:s0] =	ssyncadd.remote.s32 $0x1  }
0xbe: {  	_ =	sfence.sel $0xFFFF  }
0xbf: {  	[dreg:$0x0] =	wrdreg $0xFFFFFFFF;
	(pc) =	sbr.abs _section_cstart, $3  }
0xc0: {  	[dreg:$0x1] =	wrdreg $0xFFFFFFFF  }
0xc1: {  	_ =	task.clear_ibuf [dreg:s7], $0x2FFFF;
	_ =	strace $0x9FFFFFFF  }
0xc2: {  	(tm) =	ssettm $0x7FFFFFFF  }
0xc3: {  	_ =	shalt  }
tec
execute0_lowered:
.L_overlay_start_1:
0x0: {  	(tag) =	ssettag $0x1  }
0x1: {  	s5 =	rddreg [dreg:$0x0]  }
0x2: {  	s2 =	rddreg [dreg:$0x1]  }
0x3: {  	s0 =	rddreg [dreg:$0x2];
	s3 =	simm.s32 $0x0;
	s4 =	srdreg.scid  }
0x4: {  	s1 =	stileid.u32;
	s11 =	simm.s32 $0x320;
	s12 =	simm.s32 $0x640  }
0x5: {  	s13 =	simm.s32 $0x6A40;
	s14 =	simm.s32 $0x1;
	s15 =	simm.s32 $0x10  }
0x6: {  	s16 =	simm.s32 $0x80;
	s17 =	simm.s32 $0x2;
	s18 =	simm.s32 $0x4  }
0x7: {  	s19 =	simm.s32 $0x3;
	s20 =	simm.s32 $0x0;
	[smem:$0x7FF] =	sst s3  }
0x8: {  	s6 =	sand.u32 $0x1, s4;
	s31 =	sshll.u32 s1, $0x1;
	s4 =	sadd.s32 $0x600, s5  }
0x9: {  	s5 =	sadd.s32 $0xF42A00, s5;
	s7 =	sor.u32 s6, s31;
	s8 =	ssub.s32 $0x2, s6  }
0xa: {  	s9 =	smul.u32 $0xC80, s7;
	s10 =	sshrl.u32 s8, $0x1;
	s6 =	sshll.u32 s7, $0x9  }
0xb: {  	v0 =	vlaneseq.u32;
	v1 =	vimm.s32 $0x0;
	vm0 =	vcmask $0x300;
	_ =	strace $0x80000047;
	s10 =	ssub.s32 s8, s10;
	s8 =	sor.u32 $0x20, s6  }
0xc: {  	v0 =	vmul.u32 $0x640, v0;
	v1 =	vsel vm0, $0x3, v1;
	s7 =	sadd.s32 s4, s9;
	s9 =	smax.u32 s10, $0x1;
	s10 =	simm.s32 $0x5  }
.LBB2_1:
0xd: {  	[tilespmem:s3], [sflag:$0x5] =	stream.linear.gather [hbm4b:s7+s3], $0x320, $0x38;
	[tilespmem:$0x19640] =	vst v63  }
0xe: {  	_ =	swait.ge [sflag:s10], $0x320  }
0xf: {  	[sflag:s10] =	ssyncset.done $0x0  }
0x10: {  	s21 =	simm.s32 $0x0;
	[sflag:s10] =	ssyncadd.s32 $0xFFFFFCE0  }
0x11: {  	[tilespmem:s12], [sflag:$0x1] =	stream.indirect.gather [hbm4b:s5+s11], $0x20, s3, s11, $0xb8;
	[tilespmem:$0x19640] =	vst v63  }
.LBB2_2:
0x12: {  	s24 =	sshll.u32 s21, $0x5  }
0x13: {  	s22 =	sor.u32 $0x10, s24  }
0x14: {  	s23 =	sor.u32 s6, s22  }
0x15: {  	s25 =	smul.u32 $0x32, s23;
	_ =	sdelay $0x1  }
0x16: {  	s26 =	simm.s32 $0x0;
	s25 =	sshrl.u32 s25, $0x3  }
0x17: {  	s30 =	simm.s32 $0x0;
	s26 =	sand.u32 $0x18, s26;
	s25 =	sadd.s32 s4, s25  }
0x18: {  	v2 =	vmov s26;
	[tilespmem:s11], [sflag:$0x5] =	stream.linear.gather [hbm4b:s25+s3], $0x320, $0x38;
	[tilespmem:$0x19640] =	vst v63  }
0x19: {  	v3 =	vmov s30;
	v2 =	vshrl.u32 v2, $0x3;
	_ =	swait.ge [sflag:s10], $0x320  }
0x1a: {  	v3 =	vshll.u32 v3, $0x5;
	v2 =	vshll.u32 v2, v1;
	[sflag:s10] =	ssyncset.done $0x0  }
0x1b: {  	v3 =	vadd.s32 v0, v3;
	v4 =	vor.u32 $0x7, v2;
	v5 =	vor.u32 $0x1, v2;
	[sflag:s10] =	ssyncadd.s32 $0xFFFFFCE0  }
0x1c: {  	v6 =	vor.u32 $0x2, v2;
	v7 =	vor.u32 $0x3, v2;
	v4 =	vbroadcast v4, $0x0;
	[tilespmem:s13], [sflag:$0x2] =	stream.indirect.gather [hbm4b:s5+s11], $0x20, s11, s11, $0xb8;
	[tilespmem:$0x19640] =	vst v63  }
0x1d: {  	v8 =	vor.u32 $0x4, v2;
	v9 =	vor.u32 $0x5, v2;
	v10 =	vor.u32 $0x6, v2;
	_ =	swait.ge [sflag:s14], $0x6400  }
0x1e: {  	p0 =	seq.s32 s21, $0x0;
	v2 =	vbroadcast v2, $0x0;
	v5 =	vbroadcast v5, $0x0;
	v4 =	vor.u32 v3, v4;
	[sflag:s14] =	ssyncset.done $0x0  }
0x1f: {  	s26 =	simm.s32 @!p0 $0x3;
	v6 =	vbroadcast v6, $0x0;
	v7 =	vbroadcast v7, $0x0;
	s25 =	simm.s32 $0x8;
	[sflag:s14] =	ssyncadd.s32 $0xFFFF9C00  }
0x20: {  	v8 =	vbroadcast v8, $0x0;
	v9 =	vbroadcast v9, $0x0;
	v5 =	vor.u32 v3, v5;
	s31 =	sand.u32 $0x18, s25;
	_ =	swait.ge @!p0 [sflag:s26], $0x6400  }
0x21: {  	v10 =	vbroadcast v10, $0x0;
	v6 =	vor.u32 v3, v6;
	v11 =	vmov s31;
	[sflag:s26] =	ssyncset.done @!p0 $0x0  }
0x22: {  	v15 =	vor.u32 v2, v3;
	v8 =	vor.u32 v3, v8;
	v11 =	vshrl.u32 v11, $0x3;
	[sflag:s26] =	ssyncadd.s32 @!p0 $0xFFFF9C00  }
0x23: {  	s30 =	simm.s32 $0x0;
	v7 =	vor.u32 v3, v7;
	v9 =	vor.u32 v3, v9;
	v13 =	vshll.u32 v11, v1;
	v4 =	vld.idx.msk [tilespmem:v4+s12+$0x0], $0xffff  }
0x24: {  	v10 =	vor.u32 v3, v10;
	v3 =	vmov s30;
	v11 =	vor.u32 $0x7, v13  }
0x25: {  	v12 =	vor.u32 $0x1, v13;
	v11 =	vbroadcast v11, $0x0;
	v2 =	vld.idx.msk [tilespmem:v5+s12+$0x0], $0xffff;
	v5 =	vshll.u32 v3, $0x5  }
0x26: {  	v14 =	vor.u32 $0x2, v13;
	v16 =	vor.u32 $0x3, v13;
	v3 =	vld.idx.msk [tilespmem:v6+s12+$0x0], $0xffff;
	v5 =	vadd.s32 v0, v5  }
0x27: {  	v17 =	vor.u32 $0x4, v13;
	v12 =	vbroadcast v12, $0x0;
	v6 =	vld.idx.msk [tilespmem:v8+s12+$0x0], $0xffff;
	v11 =	vor.u32 v5, v11  }
0x28: {  	s28 =	simm.s32 $0x0;
	s31 =	simm.s32 $0x0;
	v19 =	vor.u32 $0x5, v13;
	v20 =	vbroadcast v14, $0x0;
	v18 =	vmul.f32 $5.000000000e+01, v4;
	v4 =	vld.idx.msk [tilespmem:v7+s12+$0x0], $0xffff  }
0x29: {  	s29 =	sand.u32 $0x180, s28;
	v21 =	vbroadcast v16, $0x0;
	v14 =	vbroadcast v17, $0x0;
	s26 =	sand.u32 $0x3FFFFE00, s31;
	v7 =	vld.idx.msk [tilespmem:v9+s12+$0x0], $0xffff;
	v9 =	vor.u32 $0x6, v13  }
0x2a: {  	v17 =	vbroadcast v19, $0x0;
	s26 =	sor.u32 s29, s26;
	v8 =	vld.idx.msk [tilespmem:v10+s12+$0x0], $0xffff;
	v12 =	vor.u32 v5, v12;
	v16 =	vbroadcast v9, $0x0  }
0x2b: {  	s29 =	simm.s32 $0x8;
	v10 =	vor.u32 v5, v21;
	v9 =	vld.idx.msk [tilespmem:v15+s12+$0x0], $0xffff;
	v15 =	vbroadcast v13, $0x0;
	v13 =	vor.u32 v5, v20;
	[tilespmem:s26+$0xCEB0] =	vst v18  }
.LBB2_3:
0x2c: {  	s25 =	sadd.s32 $0x8, s25;
	v14 =	vor.u32 v5, v14;
	v17 =	vor.u32 v5, v17;
	v16 =	vor.u32 v5, v16;
	v11 =	vld.idx.msk [tilespmem:v11+s12+$0x0], $0xffff  }
0x2d: {  	v18 =	vmul.f32 $5.000000000e+01, v3;
	s30 =	sand.u32 $0x18, s25;
	p1 =	slt.u32 s25, $0x638;
	v15 =	vor.u32 v15, v5;
	v5 =	vmul.f32 $5.000000000e+01, v2  }
0x2e: {  	v19 =	vmul.f32 $5.000000000e+01, v4;
	v20 =	vmul.f32 $5.000000000e+01, v6;
	v2 =	vmov s30  }
0x2f: {  	v21 =	vmul.f32 $5.000000000e+01, v8;
	v3 =	vshrl.u32 v2, $0x3;
	v2 =	vld.idx.msk [tilespmem:v12+s12+$0x0], $0xffff;
	[tilespmem:s26+$0xCE50] =	vst v5;
	v12 =	vmul.f32 $5.000000000e+01, v7  }
0x30: {  	s30 =	sshrl.u32 s25, $0x5;
	v22 =	vshll.u32 v3, v1;
	v3 =	vld.idx.msk [tilespmem:v13+s12+$0x0], $0xffff;
	v13 =	vmul.f32 $5.000000000e+01, v9;
	[tilespmem:s26+$0xCE60] =	vst v18  }
0x31: {  	s28 =	sadd.s32 $0x80, s28;
	v5 =	vmov s30;
	s30 =	sshll.u32 s29, $0x4;
	s29 =	smov.u32 s25;
	v9 =	vor.u32 $0x1, v22;
	v6 =	vor.u32 $0x7, v22;
	v4 =	vld.idx.msk [tilespmem:v10+s12+$0x0], $0xffff;
	[tilespmem:s26+$0xCE70] =	vst v19  }
0x32: {  	s31 =	sand.u32 $0x180, s28;
	v5 =	vshll.u32 v5, $0x5;
	s30 =	sand.u32 $0x3FFFFE00, s30;
	v10 =	vmul.f32 $5.000000000e+01, v11;
	v8 =	vbroadcast v6, $0x0;
	v6 =	vld.idx.msk [tilespmem:v14+s12+$0x0], $0xffff;
	[tilespmem:s26+$0xCE80] =	vst v20  }
0x33: {  	v5 =	vadd.s32 v0, v5;
	v18 =	vor.u32 $0x3, v22;
	s30 =	sor.u32 s31, s30;
	v14 =	vor.u32 $0x2, v22;
	v7 =	vld.idx.msk [tilespmem:v17+s12+$0x0], $0xffff;
	[tilespmem:s26+$0xCE90] =	vst v12  }
.Ltmp0:
0x34: {  	v12 =	vor.u32 $0x4, v22;
	v17 =	vor.u32 $0x5, v22;
	v11 =	vor.u32 v5, v8;
	v8 =	vld.idx.msk [tilespmem:v16+s12+$0x0], $0xffff;
	[tilespmem:s30+$0xCEB0] =	vst v10;
	(pc) =	sbr.rel @p1 .LBB2_3-.Ltmp0, $4  }
0x35: {  	v19 =	vbroadcast v14, $0x0;
	v10 =	vbroadcast v9, $0x0;
	v16 =	vor.u32 $0x6, v22;
	v9 =	vld.idx.msk [tilespmem:v15+s12+$0x0], $0xffff;
	[tilespmem:s26+$0xCEA0] =	vst v21  }
0x36: {  	v18 =	vbroadcast v18, $0x0;
	v14 =	vbroadcast v12, $0x0;
	[tilespmem:s26+$0xCE40] =	vst v13;
	s26 =	smov.u32 s30  }
0x37: {  	v17 =	vbroadcast v17, $0x0;
	v16 =	vbroadcast v16, $0x0;
	v12 =	vor.u32 v5, v10  }
0x38: {  	v15 =	vbroadcast v22, $0x0;
	v13 =	vor.u32 v5, v19;
	v10 =	vor.u32 v5, v18  }
0x39: {  	_ =	sdelay $0x1  }
0x3a: {  	v2 =	vmul.f32 $5.000000000e+01, v2  }
0x3b: {  	v14 =	vor.u32 v5, v14;
	v3 =	vmul.f32 $5.000000000e+01, v3  }
0x3c: {  	v11 =	vld.idx.msk [tilespmem:v11+s12+$0x0], $0xffff;
	v17 =	vor.u32 v5, v17;
	v4 =	vmul.f32 $5.000000000e+01, v4;
	[tilespmem:s26+$0xCE50] =	vst v2  }
0x3d: {  	v6 =	vmul.f32 $5.000000000e+01, v6;
	v12 =	vld.idx.msk [tilespmem:v12+s12+$0x0], $0xffff;
	v2 =	vor.u32 v5, v16;
	[tilespmem:s26+$0xCE60] =	vst v3  }
0x3e: {  	v52 =	vmul.f32 $5.000000000e+01, v7;
	v53 =	vld.idx.msk [tilespmem:v13+s12+$0x0], $0xffff;
	v3 =	vor.u32 v15, v5;
	[tilespmem:s26+$0xCE70] =	vst v4  }
0x3f: {  	v54 =	vld.idx.msk [tilespmem:v10+s12+$0x0], $0xffff;
	v56 =	vmul.f32 $5.000000000e+01, v8;
	[tilespmem:s26+$0xCE80] =	vst v6  }
0x40: {  	s25 =	sshll.u32 s29, $0x4;
	s28 =	sadd.s32 $0x80, s28;
	s31 =	sor.u32 s6, s24;
	v58 =	vmul.f32 $5.000000000e+01, v9;
	[tilespmem:s26+$0xCE90] =	vst v52;
	v57 =	vld.idx.msk [tilespmem:v14+s12+$0x0], $0xffff  }
0x41: {  	s30 =	sand.u32 $0x60, s24;
	s28 =	sand.u32 $0x180, s28;
	s25 =	sand.u32 $0x3FFFFE00, s25;
	[tilespmem:s26+$0xCEA0] =	vst v56;
	v55 =	vmul.f32 $5.000000000e+01, v11;
	v59 =	vld.idx.msk [tilespmem:v17+s12+$0x0], $0xffff  }
0x42: {  	p1 =	seq.s32 s31, $0x0;
	p2 =	sne.s32 s30, $0x0;
	s25 =	sor.u32 s28, s25;
	[tilespmem:s26+$0xCE40] =	vst v58;
	v60 =	vmul.f32 $5.000000000e+01, v12;
	v2 =	vld.idx.msk [tilespmem:v2+s12+$0x0], $0xffff  }
0x43: {  	p1 =	por !p1, !p2;
	v61 =	vmul.f32 $5.000000000e+01, v53;
	[tilespmem:s25+$0xCEB0] =	vst v55;
	v3 =	vld.idx.msk [tilespmem:v3+s12+$0x0], $0xffff  }
0x44: {  	p1 =	por !p1, !p1;
	s26 =	simm.s32 $0x1;
	v4 =	vmul.f32 $5.000000000e+01, v54;
	[tilespmem:s25+$0xCE50] =	vst v60  }
0x45: {  	s28 =	sshrl.u32 s31, $0x7;
	s26 =	simm.s32 @!p1 $0x0;
	[tilespmem:s25+$0xCE60] =	vst v61;
	v62 =	vmul.f32 $5.000000000e+01, v57  }
0x46: {  	s26 =	ssub.s32 s28, s26;
	[tilespmem:s25+$0xCE70] =	vst v4;
	v63 =	vmul.f32 $5.000000000e+01, v59  }
0x47: {  	s26 =	sshll.u32 s26, $0xA;
	v2 =	vmul.f32 $5.000000000e+01, v2;
	[tilespmem:s25+$0xCE80] =	vst v62  }
0x48: {  	s26 =	sor.u32 s30, s26;
	v3 =	vmul.f32 $5.000000000e+01, v3;
	[tilespmem:s25+$0xCE90] =	vst v63  }
0x49: {  	s26 =	sshrl.u32 s26, $0x3;
	[tilespmem:s25+$0xCEA0] =	vst v2  }
0x4a: {  	s31 =	simm.s32 $0xCE40;
	[tilespmem:s25+$0xCE40] =	vst v3;
	s25 =	sadd.s32 s2, s26;
	s26 =	simm.s32 $0x200  }
0x4b: {  	[hbm4b:s25+s15] =	stream.strided.scatter [tilespmem:s31], [sflag:$0x3], $0x80, s16, s15, $0x38;
	[tilespmem:$0x19640] =	vst v63  }
.LBB2_5:
0x4c: {  	p1 =	sne.s32 s26, $0x18E00  }
.Ltmp1:
0x4d: {  	_ = 	snop;
	(pc) =	sbr.rel @p1 .LBB2_5-.Ltmp1, $4  }
0x4e: {  	_ = 	snop  }
0x4f: {  	s28 =	sshra.s32 s26, $0x2;
	s26 =	sadd.s32 $0x200, s26  }
0x50: {  	s25 =	sadd.s32 $0x4000, s25;
	s28 =	sadd.s32 $0xCE40, s28  }
0x51: {  	[hbm4b:s25+s15] =	stream.strided.scatter [tilespmem:s28], [sflag:$0x3], $0x80, s16, s15, $0x38;
	[tilespmem:$0x19640] =	vst v63  }
0x52: {  	p1 =	sne.s32 s21, $0xF  }
.Ltmp2:
0x53: {  	_ = 	snop;
	(pc) =	sbr.rel @p1 .LBB2_8-.Ltmp2, $1  }
0x54: {  	_ =	sdelay $0x3  }
.Ltmp3:
0x55: {  	(pc) =	sbr.rel .LBB2_9-.Ltmp3, $4  }
0x56: {  	_ = 	snop  }
0x57: {  	_ =	swait.ge [sflag:s17], $0x6400  }
0x58: {  	[sflag:s17] =	ssyncset.done $0x0  }
0x59: {  	[sflag:s17] =	ssyncadd.s32 $0xFFFF9C00  }
.LBB2_8:
0x5a: {  	s24 =	sadd.s32 s24, s8  }
0x5b: {  	s24 =	smul.u32 $0x32, s24;
	_ =	sdelay $0x1  }
0x5c: {  	s24 =	sshrl.u32 s24, $0x3  }
0x5d: {  	s24 =	sadd.s32 s4, s24  }
0x5e: {  	[tilespmem:s3], [sflag:$0x5] =	stream.linear.gather [hbm4b:s24+s3], $0x320, $0x38;
	[tilespmem:$0x19640] =	vst v63  }
0x5f: {  	_ =	swait.ge [sflag:s10], $0x320  }
0x60: {  	[sflag:s10] =	ssyncset.done $0x0  }
.Ltmp4:
0x61: {  	[sflag:s10] =	ssyncadd.s32 $0xFFFFFCE0;
	(pc) =	sbr.rel @p0 .LBB2_10-.Ltmp4, $4  }
0x62: {  	[tilespmem:s12], [sflag:$0x1] =	stream.indirect.gather [hbm4b:s5+s11], $0x20, s3, s11, $0xb8;
	[tilespmem:$0x19640] =	vst v63  }
0x63: {  	_ =	swait.ge [sflag:s17], $0x6400  }
0x64: {  	[sflag:s17] =	ssyncset.done $0x0  }
0x65: {  	[sflag:s17] =	ssyncadd.s32 $0xFFFF9C00  }
.LBB2_9:
0x66: {  	_ =	swait.ge [sflag:s18], $0x6400  }
0x67: {  	[sflag:s18] =	ssyncset.done $0x0  }
0x68: {  	[sflag:s18] =	ssyncadd.s32 $0xFFFF9C00  }
.LBB2_10:
0x69: {  	s24 =	simm.s32 $0x0  }
0x6a: {  	s24 =	sand.u32 $0x18, s24  }
0x6b: {  	s26 =	simm.s32 $0x0;
	v2 =	vmov s24  }
0x6c: {  	v3 =	vmov s26;
	v2 =	vshrl.u32 v2, $0x3  }
0x6d: {  	v3 =	vshll.u32 v3, $0x5;
	s24 =	simm.s32 $0x8;
	v2 =	vshll.u32 v2, v1  }
0x6e: {  	v3 =	vadd.s32 v0, v3;
	s25 =	sand.u32 $0x18, s24;
	v4 =	vor.u32 $0x7, v2  }
0x6f: {  	v11 =	vmov s25;
	v5 =	vor.u32 $0x1, v2;
	v4 =	vbroadcast v4, $0x0  }
0x70: {  	v6 =	vor.u32 $0x2, v2;
	v7 =	vor.u32 $0x3, v2;
	v8 =	vor.u32 $0x4, v2  }
0x71: {  	v9 =	vor.u32 $0x5, v2;
	v5 =	vbroadcast v5, $0x0;
	v4 =	vor.u32 v3, v4  }
0x72: {  	v10 =	vor.u32 $0x6, v2;
	v2 =	vbroadcast v2, $0x0;
	v6 =	vbroadcast v6, $0x0  }
0x73: {  	v11 =	vshrl.u32 v11, $0x3;
	v8 =	vbroadcast v8, $0x0;
	v5 =	vor.u32 v3, v5  }
0x74: {  	v7 =	vbroadcast v7, $0x0;
	v9 =	vbroadcast v9, $0x0;
	v6 =	vor.u32 v3, v6  }
0x75: {  	v10 =	vbroadcast v10, $0x0;
	v12 =	vshll.u32 v11, v1;
	v8 =	vor.u32 v3, v8  }
0x76: {  	s30 =	simm.s32 $0x0;
	v14 =	vor.u32 v2, v3;
	v11 =	vor.u32 $0x7, v12;
	v7 =	vor.u32 v3, v7;
	v4 =	vld.idx.msk [tilespmem:v4+s13+$0x0], $0xffff  }
0x77: {  	v9 =	vor.u32 v3, v9;
	v10 =	vor.u32 v3, v10;
	v3 =	vmov s30  }
0x78: {  	v13 =	vor.u32 $0x1, v12;
	v11 =	vbroadcast v11, $0x0;
	v2 =	vld.idx.msk [tilespmem:v5+s13+$0x0], $0xffff;
	v5 =	vshll.u32 v3, $0x5  }
0x79: {  	v15 =	vor.u32 $0x2, v12;
	v16 =	vor.u32 $0x3, v12;
	v3 =	vld.idx.msk [tilespmem:v6+s13+$0x0], $0xffff;
	v5 =	vadd.s32 v0, v5  }
0x7a: {  	s28 =	simm.s32 $0x0;
	s31 =	simm.s32 $0x0;
	v17 =	vor.u32 $0x4, v12;
	v13 =	vbroadcast v13, $0x0;
	v6 =	vld.idx.msk [tilespmem:v8+s13+$0x0], $0xffff;
	v11 =	vor.u32 v5, v11  }
0x7b: {  	s26 =	sand.u32 $0x180, s28;
	s25 =	sand.u32 $0x3FFFFE00, s31;
	v19 =	vor.u32 $0x5, v12;
	v20 =	vbroadcast v15, $0x0;
	v18 =	vmul.f32 $5.000000000e+01, v4;
	v4 =	vld.idx.msk [tilespmem:v7+s13+$0x0], $0xffff  }
0x7c: {  	s25 =	sor.u32 s26, s25;
	v21 =	vbroadcast v16, $0x0;
	v15 =	vbroadcast v17, $0x0;
	v7 =	vld.idx.msk [tilespmem:v9+s13+$0x0], $0xffff;
	v9 =	vor.u32 $0x6, v12  }
0x7d: {  	s26 =	sadd.s32 $0xCE40, s25;
	v17 =	vbroadcast v19, $0x0;
	v8 =	vld.idx.msk [tilespmem:v10+s13+$0x0], $0xffff;
	v13 =	vor.u32 v5, v13;
	v16 =	vbroadcast v9, $0x0  }
0x7e: {  	s29 =	simm.s32 $0x8;
	v10 =	vor.u32 v5, v21;
	v9 =	vld.idx.msk [tilespmem:v14+s13+$0x0], $0xffff;
	v14 =	vbroadcast v12, $0x0;
	v12 =	vor.u32 v5, v20;
	[tilespmem:s26+$0x6470] =	vst v18  }
.LBB2_11:
0x7f: {  	s24 =	sadd.s32 $0x8, s24;
	v15 =	vor.u32 v5, v15;
	v17 =	vor.u32 v5, v17;
	v16 =	vor.u32 v5, v16;
	v11 =	vld.idx.msk [tilespmem:v11+s13+$0x0], $0xffff  }
0x80: {  	v18 =	vmul.f32 $5.000000000e+01, v3;
	s30 =	sand.u32 $0x18, s24;
	p0 =	slt.u32 s24, $0x638;
	v14 =	vor.u32 v14, v5;
	v5 =	vmul.f32 $5.000000000e+01, v2  }
0x81: {  	v19 =	vmul.f32 $5.000000000e+01, v4;
	v20 =	vmul.f32 $5.000000000e+01, v6;
	v2 =	vmov s30  }
0x82: {  	v21 =	vmul.f32 $5.000000000e+01, v8;
	v3 =	vshrl.u32 v2, $0x3;
	v2 =	vld.idx.msk [tilespmem:v13+s13+$0x0], $0xffff;
	[tilespmem:s26+$0x6410] =	vst v5;
	v13 =	vmul.f32 $5.000000000e+01, v7  }
0x83: {  	s29 =	sshll.u32 s29, $0x4;
	s28 =	sadd.s32 $0x80, s28;
	s30 =	sshrl.u32 s24, $0x5;
	v22 =	vshll.u32 v3, v1;
	v3 =	vld.idx.msk [tilespmem:v12+s13+$0x0], $0xffff;
	v12 =	vmul.f32 $5.000000000e+01, v9;
	[tilespmem:s26+$0x6420] =	vst v18  }
0x84: {  	s31 =	sand.u32 $0x3FFFFE00, s29;
	s29 =	smov.u32 s24;
	v5 =	vmov s30;
	s30 =	sand.u32 $0x180, s28;
	v9 =	vor.u32 $0x1, v22;
	v6 =	vor.u32 $0x7, v22;
	v4 =	vld.idx.msk [tilespmem:v10+s13+$0x0], $0xffff;
	[tilespmem:s26+$0x6430] =	vst v19  }
0x85: {  	v5 =	vshll.u32 v5, $0x5;
	s30 =	sor.u32 s30, s31;
	v10 =	vmul.f32 $5.000000000e+01, v11;
	v8 =	vbroadcast v6, $0x0;
	v6 =	vld.idx.msk [tilespmem:v15+s13+$0x0], $0xffff;
	[tilespmem:s26+$0x6440] =	vst v20  }
0x86: {  	v5 =	vadd.s32 v0, v5;
	v18 =	vor.u32 $0x3, v22;
	s31 =	sadd.s32 $0xCE40, s30;
	v15 =	vor.u32 $0x2, v22;
	v7 =	vld.idx.msk [tilespmem:v17+s13+$0x0], $0xffff;
	[tilespmem:s26+$0x6450] =	vst v13  }
.Ltmp5:
0x87: {  	v13 =	vor.u32 $0x4, v22;
	v17 =	vor.u32 $0x5, v22;
	v11 =	vor.u32 v5, v8;
	v8 =	vld.idx.msk [tilespmem:v16+s13+$0x0], $0xffff;
	[tilespmem:s31+$0x6470] =	vst v10;
	(pc) =	sbr.rel @p0 .LBB2_11-.Ltmp5, $4  }
0x88: {  	v19 =	vbroadcast v15, $0x0;
	v10 =	vbroadcast v9, $0x0;
	v16 =	vor.u32 $0x6, v22;
	v9 =	vld.idx.msk [tilespmem:v14+s13+$0x0], $0xffff;
	[tilespmem:s26+$0x6460] =	vst v21;
	s26 =	smov.u32 s31  }
0x89: {  	v18 =	vbroadcast v18, $0x0;
	v15 =	vbroadcast v13, $0x0;
	[tilespmem:s25+$0x13240] =	vst v12;
	s25 =	smov.u32 s30  }
0x8a: {  	v17 =	vbroadcast v17, $0x0;
	v16 =	vbroadcast v16, $0x0;
	v13 =	vor.u32 v5, v10  }
0x8b: {  	v14 =	vbroadcast v22, $0x0;
	v12 =	vor.u32 v5, v19;
	v10 =	vor.u32 v5, v18  }
0x8c: {  	_ =	sdelay $0x1  }
0x8d: {  	v2 =	vmul.f32 $5.000000000e+01, v2  }
0x8e: {  	v15 =	vor.u32 v5, v15;
	v3 =	vmul.f32 $5.000000000e+01, v3  }
0x8f: {  	v11 =	vld.idx.msk [tilespmem:v11+s13+$0x0], $0xffff;
	v17 =	vor.u32 v5, v17;
	v4 =	vmul.f32 $5.000000000e+01, v4;
	[tilespmem:s26+$0x6410] =	vst v2  }
0x90: {  	v6 =	vmul.f32 $5.000000000e+01, v6;
	v13 =	vld.idx.msk [tilespmem:v13+s13+$0x0], $0xffff;
	v2 =	vor.u32 v5, v16;
	[tilespmem:s26+$0x6420] =	vst v3  }
0x91: {  	v52 =	vmul.f32 $5.000000000e+01, v7;
	v53 =	vld.idx.msk [tilespmem:v12+s13+$0x0], $0xffff;
	v3 =	vor.u32 v14, v5;
	[tilespmem:s26+$0x6430] =	vst v4  }
0x92: {  	s24 =	sshll.u32 s29, $0x4;
	s28 =	sadd.s32 $0x80, s28;
	v54 =	vld.idx.msk [tilespmem:v10+s13+$0x0], $0xffff;
	v56 =	vmul.f32 $5.000000000e+01, v8;
	[tilespmem:s26+$0x6440] =	vst v6  }
0x93: {  	s28 =	sand.u32 $0x180, s28;
	s24 =	sand.u32 $0x3FFFFE00, s24;
	v58 =	vmul.f32 $5.000000000e+01, v9;
	[tilespmem:s26+$0x6450] =	vst v52;
	v57 =	vld.idx.msk [tilespmem:v15+s13+$0x0], $0xffff  }
0x94: {  	s24 =	sor.u32 s28, s24;
	[tilespmem:s26+$0x6460] =	vst v56;
	v55 =	vmul.f32 $5.000000000e+01, v11;
	v59 =	vld.idx.msk [tilespmem:v17+s13+$0x0], $0xffff  }
0x95: {  	s28 =	sadd.s32 $0xCE40, s24;
	[tilespmem:s25+$0x13240] =	vst v58;
	v60 =	vmul.f32 $5.000000000e+01, v13;
	v2 =	vld.idx.msk [tilespmem:v2+s13+$0x0], $0xffff  }
0x96: {  	v61 =	vmul.f32 $5.000000000e+01, v53;
	[tilespmem:s28+$0x6470] =	vst v55;
	v3 =	vld.idx.msk [tilespmem:v3+s13+$0x0], $0xffff  }
0x97: {  	v4 =	vmul.f32 $5.000000000e+01, v54;
	[tilespmem:s28+$0x6410] =	vst v60  }
0x98: {  	[tilespmem:s28+$0x6420] =	vst v61;
	v62 =	vmul.f32 $5.000000000e+01, v57  }
0x99: {  	s23 =	sshll.u32 s23, $0x3;
	[tilespmem:s28+$0x6430] =	vst v4;
	v63 =	vmul.f32 $5.000000000e+01, v59  }
0x9a: {  	s22 =	sand.u32 $0x70, s22;
	s23 =	sand.u32 $0x7FFFFC00, s23;
	v2 =	vmul.f32 $5.000000000e+01, v2;
	[tilespmem:s28+$0x6440] =	vst v62  }
0x9b: {  	s22 =	sor.u32 s22, s23;
	v3 =	vmul.f32 $5.000000000e+01, v3;
	[tilespmem:s28+$0x6450] =	vst v63  }
0x9c: {  	s22 =	sshrl.u32 s22, $0x3;
	[tilespmem:s28+$0x6460] =	vst v2  }
0x9d: {  	s31 =	simm.s32 $0x13240;
	s23 =	simm.s32 $0x200;
	s22 =	sadd.s32 s2, s22;
	[tilespmem:s24+$0x13240] =	vst v3  }
0x9e: {  	[hbm4b:s22+s15] =	stream.strided.scatter [tilespmem:s31], [sflag:$0x4], $0x80, s16, s15, $0x38;
	[tilespmem:$0x19640] =	vst v63  }
.LBB2_13:
0x9f: {  	p0 =	sne.s32 s23, $0x18E00  }
.Ltmp6:
0xa0: {  	_ = 	snop;
	(pc) =	sbr.rel @p0 .LBB2_13-.Ltmp6, $4  }
0xa1: {  	_ = 	snop  }
0xa2: {  	s24 =	sshra.s32 s23, $0x2;
	s23 =	sadd.s32 $0x200, s23  }
0xa3: {  	s22 =	sadd.s32 $0x4000, s22;
	s24 =	sadd.s32 $0x13240, s24  }
0xa4: {  	[hbm4b:s22+s15] =	stream.strided.scatter [tilespmem:s24], [sflag:$0x4], $0x80, s16, s15, $0x38;
	[tilespmem:$0x19640] =	vst v63  }
0xa5: {  	s21 =	sadd.s32 $0x1, s21  }
0xa6: {  	p0 =	sne.s32 s21, $0x10  }
.Ltmp7:
0xa7: {  	_ = 	snop;
	(pc) =	sbr.rel @p0 .LBB2_2-.Ltmp7, $1  }
0xa8: {  	_ =	sdelay $0x3  }
0xa9: {  	s20 =	sadd.s32 $0x1, s20  }
0xaa: {  	_ =	swait.ge [sflag:s19], $0x6400;
	p0 =	sne.s32 s20, s9  }
.Ltmp8:
0xab: {  	[sflag:s19] =	ssyncset.done $0x0;
	(pc) =	sbr.rel @p0 .LBB2_1-.Ltmp8, $4  }
0xac: {  	[sflag:s19] =	ssyncadd.s32 $0xFFFF9C00  }
0xad: {  	_ =	swait.ge [sflag:s18], $0x6400  }
0xae: {  	[sflag:s18] =	ssyncset.done $0x0  }
0xaf: {  	[sflag:s18] =	ssyncadd.s32 $0xFFFF9C00  }
0xb0: {  	_ =	sfence.sel $0x180000  }
0xb1: {  	[bflag:$0x0] =	sbarrier.arrive $0xFFFF  }
0xb2: {  	p0 =	sne.s32 s1, $0x0;
	_ =	strace $0x90000047  }
0xb3: {  	s0 =	sadd.s32 @!p0 $0x100000, s0;
	[bflag:$0x2] =	sbarrier.arrive $0xFFFF  }
0xb4: {  	[sflag:s0] =	ssyncadd.tile.s32 @!p0 $0x1;
	_ =	shalt  }
.Lfunc_end2:
_tile_overlayer_lowered:
.L_overlay_start_2:
0xb5: {  	(tag) =	ssettag $0x2  }
0xb6: {  	s0 =	rddreg [dreg:$0x0];
	s2 =	stileid.u32  }
0xb7: {  	s1 =	rddreg [dreg:$0x1];
	p0 =	sne.s32 s2, $0x0  }
0xb8: {  	s3 =	rddreg [dreg:$0x2];
	[bflag:$0x3] =	sbarrier.arrive $0xFFFF;
	s2 =	simm.s32 @!p0 $0x1C05  }
0xb9: {  	[timem:s3], [sflag:s2] =	dma.local @!p0 [hbm:s0], s1  }
0xba: {  	s0 =	simm.s32 @!p0 $0x5  }
0xbb: {  	_ =	swait.ge @!p0 [sflag:s0], s1  }
0xbc: {  	s1 =	ssub.s32 @!p0 $0x0, s1;
	[sflag:s0] =	ssyncset.done @!p0 $0x0  }
0xbd: {  	[sflag:s0] =	ssyncadd.s32 @!p0 s1  }
0xbe: {  	[bflag:$0x3] =	sbarrier.arrive $0xFFFF  }
0xbf: {  	_ =	shalt  }

</sc_bundles>
